<compile_context>
chip_gen: v7x
topology: tpu7x:2x2x1
jax: 0.10.2.dev20260603
libtpu: 0.0.44.dev20260713+nightly
codegen_flags: <defaults>
</compile_context>

<pallas_src>
import functools

import jax
import jax.numpy as jnp
from jax import lax
from jax.experimental import layout as jex_layout
from jax.experimental import pallas as pl
from jax.experimental.pallas import tpu as pltpu
from jax.experimental.pallas import tpu_sc as plsc

_L = 16
_NW = 32


def _sc_flip(B, K, C0, C1, H, W):
    N0 = B * K * C0
    N1 = B * K * C1

    mesh = plsc.VectorSubcoreMesh(core_axis_name="c", subcore_axis_name="s")

    @functools.partial(
        pl.kernel,
        mesh=mesh,
        out_type=[
            jax.ShapeDtypeStruct((N0, H, W), jnp.float32),
            jax.ShapeDtypeStruct((N1, H, W), jnp.float32),
        ],
        scratch_types=[
            pltpu.VMEM((_NW,), jnp.int32),
            pltpu.VMEM((H, W), jnp.float32),
            pltpu.VMEM((H, W), jnp.float32),
            pltpu.SemaphoreType.DMA,
            pltpu.SemaphoreType.DMA,
        ],
    )
    def body(f0_hbm, f1_hbm, fi_hbm, o0_hbm, o1_hbm, fi_v, inb, outb,
             sem_in, sem_out):
        w = lax.axis_index("s") * 2 + lax.axis_index("c")
        pltpu.sync_copy(fi_hbm, fi_v)

        woffs = tuple(range(0, W - _L, _L)) + (W - _L,)

        def flip_plane(negate):
            def row(h, carry):
                for woff in woffs:
                    v = inb[h, pl.ds(W - _L - woff, _L)]
                    v = lax.rev(v, (0,))
                    outb[h, pl.ds(woff, _L)] = -v if negate else v
                return carry
            lax.fori_loop(0, H, row, 0)

        def wait_out(o_hbm):
            pltpu.make_async_copy(outb, o_hbm.at[0], sem_out).wait()

        def do_field0(i, carry):
            p = jnp.minimum(w + _NW * i, N0 - 1)
            b = p // K
            k = p - b * K
            src = b * K + fi_v[pl.ds(k, _L)][0]
            in_dma = pltpu.async_copy(f0_hbm.at[src], inb, sem_in)

            @pl.when(i > 0)
            def _():
                wait_out(o0_hbm)

            in_dma.wait()
            flip_plane(False)
            pltpu.async_copy(outb, o0_hbm.at[p], sem_out)
            return carry

        lax.fori_loop(0, -(-N0 // _NW), do_field0, 0)

        def do_field1(i, carry):
            p = w + _NW * i
            c = p % C1
            bk = p // C1
            b = bk // K
            k = bk - b * K
            src = (b * K + fi_v[pl.ds(k, _L)][0]) * C1 + c
            in_dma = pltpu.async_copy(f1_hbm.at[src], inb, sem_in)

            @pl.when(i == 0)
            def _():
                wait_out(o0_hbm)

            @pl.when(i > 0)
            def _():
                wait_out(o1_hbm)

            in_dma.wait()

            @pl.when(c == 0)
            def _():
                flip_plane(True)

            @pl.when(c != 0)
            def _():
                flip_plane(False)

            pltpu.async_copy(outb, o1_hbm.at[p], sem_out)
            return carry

        lax.fori_loop(0, N1 // _NW, do_field1, 0)
        wait_out(o1_hbm)

    return body


def kernel(field0, field1, flip_indices):
    B, K, C0, H, W = field0.shape
    C1 = field1.shape[2]
    lay5 = jex_layout.Layout(major_to_minor=(0, 1, 2, 3, 4))
    field0, field1 = lax.optimization_barrier((field0, field1))
    field0 = jex_layout.with_layout_constraint(field0, lay5)
    field1 = jex_layout.with_layout_constraint(field1, lay5)
    f0v = field0.reshape(B * K * C0, H, W)
    f1v = field1.reshape(B * K * C1, H, W)
    fi = jnp.pad(flip_indices.astype(jnp.int32), (0, _NW - flip_indices.shape[0]))

    o0, o1 = _sc_flip(B, K, C0, C1, H, W)(f0v, f1v, fi)
    return (o0.reshape(field0.shape), o1.reshape(field1.shape))

# --- scband reference (transcript-rebuilt; emitter-appended) ---
"""Pipeline reference for scband-pif-hflip-3212635537461 (READ-ONLY COPY).

The authoritative reference and input builder live on the scoring server;
editing this copy changes nothing except your own understanding.
"""

import jax, jax.numpy as jnp
import numpy as np

COCO_KEYPOINTS = ["nose", "left_eye", "right_eye", "left_ear", "right_ear", "left_shoulder", "right_shoulder", "left_elbow", "right_elbow", "left_wrist", "right_wrist", "left_hip", "right_hip", "left_knee", "right_knee", "left_ankle", "right_ankle"]
HFLIP = {"left_eye": "right_eye", "right_eye": "left_eye", "left_ear": "right_ear", "right_ear": "left_ear", "left_shoulder": "right_shoulder", "right_shoulder": "left_shoulder", "left_elbow": "right_elbow", "right_elbow": "left_elbow", "left_wrist": "right_wrist", "right_wrist": "left_wrist", "left_hip": "right_hip", "right_hip": "left_hip", "left_knee": "right_knee", "right_knee": "left_knee", "left_ankle": "right_ankle", "right_ankle": "left_ankle"}


def setup_inputs(seed: int = 0):
    key = jax.random.key(seed)
    k0, k1 = jax.random.split(key)
    field0 = jax.random.normal(k0, (16, 17, 1, 121, 121), dtype=jnp.float32)
    field1 = jax.random.normal(k1, (16, 17, 2, 121, 121), dtype=jnp.float32)
    flip_indices = jnp.array(
        [COCO_KEYPOINTS.index(HFLIP[name]) if name in HFLIP else i
         for i, name in enumerate(COCO_KEYPOINTS)],
        dtype=jnp.int32,
    )
    return {"field0": field0, "field1": field1, "flip_indices": flip_indices}


def reference(field0, field1, flip_indices):
    out = []
    for field in (field0, field1):
        # torch.index_select(field, 1, flip_indices)
        field = jnp.take(field, flip_indices, axis=1)
        # torch.flip(field, dims=[len(field.shape) - 1])
        field = jnp.flip(field, axis=field.ndim - 1)
        out.append(field)
    # out[1][:, :, 0, :, :] *= -1.0  (negate x-offset channel)
    out[1] = out[1].at[:, :, 0, :, :].multiply(-1.0)
    return tuple(out)

if __name__ == "__main__":
    import jax
    _d = setup_inputs()
    print(jax.jit(kernel)(*tuple(_d.values())))

</pallas_src>

<mosaic_0001>
#map = affine_map<(d0, d1) -> (0, 0, 0)>
#map1 = affine_map<(d0, d1) -> (0)>
module attributes {stable_mosaic.version = 14 : i64} {
  func.func @body(%arg0: i32, %arg1: i32, %arg2: memref<272x121x121xf32, #tpu.memory_space<hbm>>, %arg3: memref<544x121x121xf32, #tpu.memory_space<hbm>>, %arg4: memref<32xi32, #tpu.memory_space<hbm>>, %arg5: memref<272x121x121xf32, #tpu.memory_space<hbm>>, %arg6: memref<544x121x121xf32, #tpu.memory_space<hbm>>, %arg7: memref<32xi32, #tpu.memory_space<vmem>>, %arg8: memref<121x121xf32, #tpu.memory_space<vmem>>, %arg9: memref<121x121xf32, #tpu.memory_space<vmem>>, %arg10: memref<!tpu.dma_semaphore, #tpu.memory_space<semaphore_mem>>, %arg11: memref<!tpu.dma_semaphore, #tpu.memory_space<semaphore_mem>>) attributes {dimension_semantics = [#tpu.dimension_semantics<core_parallel>, #tpu.dimension_semantics<subcore_parallel>], iteration_bounds = array<i64: 2, 16>, scalar_prefetch = 0 : i64, scratch_operands = 5 : i64, tpu.core_type = #tpu.core_type<sc_vector_subcore>, window_params = [{transform_indices = #map}, {transform_indices = #map}, {transform_indices = #map1}, {transform_indices = #map}, {transform_indices = #map}]} {
    %mul3A = arith.constant 2 : i32
    %mul3A_0 = arith.muli %arg1, %mul3A : i32
    %add3A = arith.addi %mul3A_0, %arg0 : i32
    "tpu.region"() ({
      %run_scoped3A = tpu.sem_alloc : memref<!tpu.dma_semaphore, #tpu.memory_space<semaphore_mem>>
      tpu.enqueue_dma source(%arg4 : memref<32xi32, #tpu.memory_space<hbm>>) target(%arg7 : memref<32xi32, #tpu.memory_space<vmem>>) target_semaphore(%run_scoped3A : memref<!tpu.dma_semaphore, #tpu.memory_space<semaphore_mem>>)
      tpu.wait_dma2 semaphore(%run_scoped3A : memref<!tpu.dma_semaphore, #tpu.memory_space<semaphore_mem>>) src(%arg4 : memref<32xi32, #tpu.memory_space<hbm>>) dst(%arg7 : memref<32xi32, #tpu.memory_space<vmem>>)
      tpu.yield
    }) : () -> ()
    %scan3A = arith.constant 0 : i32
    %scan3A_1 = arith.constant 0 : i32
    %scan3A_2 = arith.constant 9 : i32
    %scan3A_3 = arith.addi %scan3A_1, %scan3A_2 : i32
    %scan3A_4 = arith.constant 1 : i32
    scf.for %scan3A_20 = %scan3A_1 to %scan3A_3 step %scan3A_4  : i32 {
      %mul3A_21 = arith.constant 32 : i32
      %mul3A_22 = arith.muli %mul3A_21, %scan3A_20 : i32
      %add3A_23 = arith.addi %add3A, %mul3A_22 : i32
      %min3A = arith.constant 271 : i32
      %min3A_24 = arith.minsi %add3A_23, %min3A : i32
      %jit3A = arith.constant 17 : i32
      %div3A = arith.divsi %min3A_24, %jit3A : i32
      %sign3A = arith.constant 0 : i32
      %sign3A_25 = arith.cmpi sgt, %min3A_24, %sign3A : i32
      %sign3A_26 = arith.extui %sign3A_25 : i1 to i32
      %sign3A_27 = arith.constant 0 : i32
      %sign3A_28 = arith.cmpi slt, %min3A_24, %sign3A_27 : i32
      %sign3A_29 = arith.extui %sign3A_28 : i1 to i32
      %sign3A_30 = arith.subi %sign3A_26, %sign3A_29 : i32
      %sign3A_31 = arith.constant 0 : i32
      %sign3A_32 = arith.cmpi sgt, %jit3A, %sign3A_31 : i32
      %sign3A_33 = arith.extui %sign3A_32 : i1 to i32
      %sign3A_34 = arith.constant 0 : i32
      %sign3A_35 = arith.cmpi slt, %jit3A, %sign3A_34 : i32
      %sign3A_36 = arith.extui %sign3A_35 : i1 to i32
      %sign3A_37 = arith.subi %sign3A_33, %sign3A_36 : i32
      %ne3A = arith.cmpi ne, %sign3A_30, %sign3A_37 : i32
      %rem3A = arith.remsi %min3A_24, %jit3A : i32
      %ne3A_38 = arith.constant 0 : i32
      %ne3A_39 = arith.cmpi ne, %rem3A, %ne3A_38 : i32
      %and3A = arith.andi %ne3A, %ne3A_39 : i1
      %sub3A = arith.constant 1 : i32
      %sub3A_40 = arith.subi %div3A, %sub3A : i32
      %select_n3A = arith.select %and3A, %sub3A_40, %div3A : i32
      %mul3A_41 = arith.constant 17 : i32
      %mul3A_42 = arith.muli %select_n3A, %mul3A_41 : i32
      %sub3A_43 = arith.subi %min3A_24, %mul3A_42 : i32
      %mul3A_44 = arith.constant 17 : i32
      %mul3A_45 = arith.muli %select_n3A, %mul3A_44 : i32
      %get3A = arith.index_cast %sub3A_43 : i32 to index
      %get3A_46 = tpu.vector_load %arg7[%get3A] {strides = array<i32>} : memref<32xi32, #tpu.memory_space<vmem>>, vector<16xi32>,
      %get3A_47 = vector.shape_cast %get3A_46 : vector<16xi32> to vector<16xi32>
      %slice3A = vector.extract_strided_slice %get3A_47 {offsets = [0], sizes = [1], strides = [1]} : vector<16xi32> to vector<1xi32>
      %squeeze3A = vector.extract %slice3A[0] : i32 from vector<1xi32>
      %add3A_48 = arith.addi %mul3A_45, %squeeze3A : i32
      %dma_start3A = arith.constant 0 : i32
      %dma_start3A_49 = arith.constant 0 : i32
      %dma_start3A_50 = tpu.memref_slice %arg2[%add3A_48, %dma_start3A, %dma_start3A_49] : memref<272x121x121xf32, #tpu.memory_space<hbm>> -> memref<1x121x121xf32, #tpu.memory_space<hbm>>
      %dma_start3A_51 = tpu.memref_squeeze %dma_start3A_50 : memref<1x121x121xf32, #tpu.memory_space<hbm>> -> memref<121x121xf32, #tpu.memory_space<hbm>>
      %dma_start3A_52 = arith.constant 0 : i32
      %dma_start3A_53 = arith.constant 0 : i32
      %dma_start3A_54 = tpu.memref_slice %arg2[%add3A_48, %dma_start3A_52, %dma_start3A_53] : memref<272x121x121xf32, #tpu.memory_space<hbm>> -> memref<1x121x121xf32, #tpu.memory_space<hbm>>
      %dma_start3A_55 = tpu.memref_squeeze %dma_start3A_54 : memref<1x121x121xf32, #tpu.memory_space<hbm>> -> memref<121x121xf32, #tpu.memory_space<hbm>>
      tpu.enqueue_dma source(%dma_start3A_55 : memref<121x121xf32, #tpu.memory_space<hbm>>) target(%arg8 : memref<121x121xf32, #tpu.memory_space<vmem>>) target_semaphore(%arg10 : memref<!tpu.dma_semaphore, #tpu.memory_space<semaphore_mem>>)
      %gt3A = arith.constant 0 : i32
      %gt3A_56 = arith.cmpi sgt, %scan3A_20, %gt3A : i32
      %convert_element_type3A = arith.extui %gt3A_56 : i1 to i32
      %cond3A = arith.constant 0 : i32
      %cond3A_57 = arith.cmpi ne, %convert_element_type3A, %cond3A : i32
      scf.if %cond3A_57 {
        %dma_wait3A_80 = arith.constant 0 : i32
        %dma_wait3A_81 = arith.constant 0 : i32
        %dma_wait3A_82 = arith.constant 0 : i32
        %dma_wait3A_83 = tpu.memref_slice %arg5[%dma_wait3A_80, %dma_wait3A_81, %dma_wait3A_82] : memref<272x121x121xf32, #tpu.memory_space<hbm>> -> memref<1x121x121xf32, #tpu.memory_space<hbm>>
        %dma_wait3A_84 = tpu.memref_squeeze %dma_wait3A_83 : memref<1x121x121xf32, #tpu.memory_space<hbm>> -> memref<121x121xf32, #tpu.memory_space<hbm>>
        %dma_wait3A_85 = arith.constant 0 : i32
        %dma_wait3A_86 = arith.constant 0 : i32
        %dma_wait3A_87 = tpu.memref_slice %arg5[%dma_wait3A_80, %dma_wait3A_85, %dma_wait3A_86] : memref<272x121x121xf32, #tpu.memory_space<hbm>> -> memref<1x121x121xf32, #tpu.memory_space<hbm>>
        %dma_wait3A_88 = tpu.memref_squeeze %dma_wait3A_87 : memref<1x121x121xf32, #tpu.memory_space<hbm>> -> memref<121x121xf32, #tpu.memory_space<hbm>>
        tpu.wait_dma2 semaphore(%arg11 : memref<!tpu.dma_semaphore, #tpu.memory_space<semaphore_mem>>) src(%arg9 : memref<121x121xf32, #tpu.memory_space<vmem>>) dst(%dma_wait3A_88 : memref<121x121xf32, #tpu.memory_space<hbm>>)
      } else {
      }
      %dma_wait3A_58 = arith.constant 0 : i32
      %dma_wait3A_59 = arith.constant 0 : i32
      %dma_wait3A_60 = tpu.memref_slice %arg2[%add3A_48, %dma_wait3A_58, %dma_wait3A_59] : memref<272x121x121xf32, #tpu.memory_space<hbm>> -> memref<1x121x121xf32, #tpu.memory_space<hbm>>
      %dma_wait3A_61 = tpu.memref_squeeze %dma_wait3A_60 : memref<1x121x121xf32, #tpu.memory_space<hbm>> -> memref<121x121xf32, #tpu.memory_space<hbm>>
      %dma_wait3A_62 = arith.constant 0 : i32
      %dma_wait3A_63 = arith.constant 0 : i32
      %dma_wait3A_64 = tpu.memref_slice %arg2[%add3A_48, %dma_wait3A_62, %dma_wait3A_63] : memref<272x121x121xf32, #tpu.memory_space<hbm>> -> memref<1x121x121xf32, #tpu.memory_space<hbm>>
      %dma_wait3A_65 = tpu.memref_squeeze %dma_wait3A_64 : memref<1x121x121xf32, #tpu.memory_space<hbm>> -> memref<121x121xf32, #tpu.memory_space<hbm>>
      tpu.wait_dma2 semaphore(%arg10 : memref<!tpu.dma_semaphore, #tpu.memory_space<semaphore_mem>>) src(%dma_wait3A_65 : memref<121x121xf32, #tpu.memory_space<hbm>>) dst(%arg8 : memref<121x121xf32, #tpu.memory_space<vmem>>)
      %scan3A_66 = arith.constant 0 : i32
      %scan3A_67 = arith.constant 0 : i32
      %scan3A_68 = arith.constant 121 : i32
      %scan3A_69 = arith.addi %scan3A_67, %scan3A_68 : i32
      %scan3A_70 = arith.constant 1 : i32
      scf.for %scan3A_80 = %scan3A_67 to %scan3A_69 step %scan3A_70  : i32 {
        %get3A_81 = arith.index_cast %scan3A_80 : i32 to index
        %get3A_82 = arith.constant 105 : index
        %get3A_83 = tpu.vector_load %arg8[%get3A_81, %get3A_82] {strides = array<i32>} : memref<121x121xf32, #tpu.memory_space<vmem>>, vector<1x16xf32>,
        %get3A_84 = vector.shape_cast %get3A_83 : vector<1x16xf32> to vector<16xf32>
        %rev3A = arith.constant 15 : i32
        %rev3A_85 = vector.broadcast %rev3A : i32 to vector<16xi32>
        %rev3A_86 = tpu.iota {dimensions = array<i32: 0>} : vector<16xi32>
        %rev3A_87 = arith.subi %rev3A_85, %rev3A_86 : vector<16xi32>
        %rev3A_88 = tpu.dynamic_gather %get3A_84[%rev3A_87] in [0] : vector<16xf32>, vector<16xi32> -> vector<16xf32>
        %swap3A = arith.index_cast %scan3A_80 : i32 to index
        %swap3A_89 = arith.constant 0 : index
        %swap3A_90 = tpu.vector_load %arg9[%swap3A, %swap3A_89] {strides = array<i32>} : memref<121x121xf32, #tpu.memory_space<vmem>>, vector<1x16xf32>,
        %swap3A_91 = vector.shape_cast %swap3A_90 : vector<1x16xf32> to vector<16xf32>
        %swap3A_92 = vector.shape_cast %rev3A_88 : vector<16xf32> to vector<1x16xf32>
        tpu.vector_store %arg9[%swap3A, %swap3A_89], %swap3A_92 {strides = array<i32>} : memref<121x121xf32, #tpu.memory_space<vmem>>, vector<1x16xf32>,
        %get3A_93 = arith.index_cast %scan3A_80 : i32 to index
        %get3A_94 = arith.constant 89 : index
        %get3A_95 = tpu.vector_load %arg8[%get3A_93, %get3A_94] {strides = array<i32>} : memref<121x121xf32, #tpu.memory_space<vmem>>, vector<1x16xf32>,
        %get3A_96 = vector.shape_cast %get3A_95 : vector<1x16xf32> to vector<16xf32>
        %rev3A_97 = arith.constant 15 : i32
        %rev3A_98 = vector.broadcast %rev3A_97 : i32 to vector<16xi32>
        %rev3A_99 = tpu.iota {dimensions = array<i32: 0>} : vector<16xi32>
        %rev3A_100 = arith.subi %rev3A_98, %rev3A_99 : vector<16xi32>
        %rev3A_101 = tpu.dynamic_gather %get3A_96[%rev3A_100] in [0] : vector<16xf32>, vector<16xi32> -> vector<16xf32>
        %swap3A_102 = arith.index_cast %scan3A_80 : i32 to index
        %swap3A_103 = arith.constant 16 : index
        %swap3A_104 = tpu.vector_load %arg9[%swap3A_102, %swap3A_103] {strides = array<i32>} : memref<121x121xf32, #tpu.memory_space<vmem>>, vector<1x16xf32>,
        %swap3A_105 = vector.shape_cast %swap3A_104 : vector<1x16xf32> to vector<16xf32>
        %swap3A_106 = vector.shape_cast %rev3A_101 : vector<16xf32> to vector<1x16xf32>
        tpu.vector_store %arg9[%swap3A_102, %swap3A_103], %swap3A_106 {strides = array<i32>} : memref<121x121xf32, #tpu.memory_space<vmem>>, vector<1x16xf32>,
        %get3A_107 = arith.index_cast %scan3A_80 : i32 to index
        %get3A_108 = arith.constant 73 : index
        %get3A_109 = tpu.vector_load %arg8[%get3A_107, %get3A_108] {strides = array<i32>} : memref<121x121xf32, #tpu.memory_space<vmem>>, vector<1x16xf32>,
        %get3A_110 = vector.shape_cast %get3A_109 : vector<1x16xf32> to vector<16xf32>
        %rev3A_111 = arith.constant 15 : i32
        %rev3A_112 = vector.broadcast %rev3A_111 : i32 to vector<16xi32>
        %rev3A_113 = tpu.iota {dimensions = array<i32: 0>} : vector<16xi32>
        %rev3A_114 = arith.subi %rev3A_112, %rev3A_113 : vector<16xi32>
        %rev3A_115 = tpu.dynamic_gather %get3A_110[%rev3A_114] in [0] : vector<16xf32>, vector<16xi32> -> vector<16xf32>
        %swap3A_116 = arith.index_cast %scan3A_80 : i32 to index
        %swap3A_117 = arith.constant 32 : index
        %swap3A_118 = tpu.vector_load %arg9[%swap3A_116, %swap3A_117] {strides = array<i32>} : memref<121x121xf32, #tpu.memory_space<vmem>>, vector<1x16xf32>,
        %swap3A_119 = vector.shape_cast %swap3A_118 : vector<1x16xf32> to vector<16xf32>
        %swap3A_120 = vector.shape_cast %rev3A_115 : vector<16xf32> to vector<1x16xf32>
        tpu.vector_store %arg9[%swap3A_116, %swap3A_117], %swap3A_120 {strides = array<i32>} : memref<121x121xf32, #tpu.memory_space<vmem>>, vector<1x16xf32>,
        %get3A_121 = arith.index_cast %scan3A_80 : i32 to index
        %get3A_122 = arith.constant 57 : index
        %get3A_123 = tpu.vector_load %arg8[%get3A_121, %get3A_122] {strides = array<i32>} : memref<121x121xf32, #tpu.memory_space<vmem>>, vector<1x16xf32>,
        %get3A_124 = vector.shape_cast %get3A_123 : vector<1x16xf32> to vector<16xf32>
        %rev3A_125 = arith.constant 15 : i32
        %rev3A_126 = vector.broadcast %rev3A_125 : i32 to vector<16xi32>
        %rev3A_127 = tpu.iota {dimensions = array<i32: 0>} : vector<16xi32>
        %rev3A_128 = arith.subi %rev3A_126, %rev3A_127 : vector<16xi32>
        %rev3A_129 = tpu.dynamic_gather %get3A_124[%rev3A_128] in [0] : vector<16xf32>, vector<16xi32> -> vector<16xf32>
        %swap3A_130 = arith.index_cast %scan3A_80 : i32 to index
        %swap3A_131 = arith.constant 48 : index
        %swap3A_132 = tpu.vector_load %arg9[%swap3A_130, %swap3A_131] {strides = array<i32>} : memref<121x121xf32, #tpu.memory_space<vmem>>, vector<1x16xf32>,
        %swap3A_133 = vector.shape_cast %swap3A_132 : vector<1x16xf32> to vector<16xf32>
        %swap3A_134 = vector.shape_cast %rev3A_129 : vector<16xf32> to vector<1x16xf32>
        tpu.vector_store %arg9[%swap3A_130, %swap3A_131], %swap3A_134 {strides = array<i32>} : memref<121x121xf32, #tpu.memory_space<vmem>>, vector<1x16xf32>,
        %get3A_135 = arith.index_cast %scan3A_80 : i32 to index
        %get3A_136 = arith.constant 41 : index
        %get3A_137 = tpu.vector_load %arg8[%get3A_135, %get3A_136] {strides = array<i32>} : memref<121x121xf32, #tpu.memory_space<vmem>>, vector<1x16xf32>,
        %get3A_138 = vector.shape_cast %get3A_137 : vector<1x16xf32> to vector<16xf32>
        %rev3A_139 = arith.constant 15 : i32
        %rev3A_140 = vector.broadcast %rev3A_139 : i32 to vector<16xi32>
        %rev3A_141 = tpu.iota {dimensions = array<i32: 0>} : vector<16xi32>
        %rev3A_142 = arith.subi %rev3A_140, %rev3A_141 : vector<16xi32>
        %rev3A_143 = tpu.dynamic_gather %get3A_138[%rev3A_142] in [0] : vector<16xf32>, vector<16xi32> -> vector<16xf32>
        %swap3A_144 = arith.index_cast %scan3A_80 : i32 to index
        %swap3A_145 = arith.constant 64 : index
        %swap3A_146 = tpu.vector_load %arg9[%swap3A_144, %swap3A_145] {strides = array<i32>} : memref<121x121xf32, #tpu.memory_space<vmem>>, vector<1x16xf32>,
        %swap3A_147 = vector.shape_cast %swap3A_146 : vector<1x16xf32> to vector<16xf32>
        %swap3A_148 = vector.shape_cast %rev3A_143 : vector<16xf32> to vector<1x16xf32>
        tpu.vector_store %arg9[%swap3A_144, %swap3A_145], %swap3A_148 {strides = array<i32>} : memref<121x121xf32, #tpu.memory_space<vmem>>, vector<1x16xf32>,
        %get3A_149 = arith.index_cast %scan3A_80 : i32 to index
        %get3A_150 = arith.constant 25 : index
        %get3A_151 = tpu.vector_load %arg8[%get3A_149, %get3A_150] {strides = array<i32>} : memref<121x121xf32, #tpu.memory_space<vmem>>, vector<1x16xf32>,
        %get3A_152 = vector.shape_cast %get3A_151 : vector<1x16xf32> to vector<16xf32>
        %rev3A_153 = arith.constant 15 : i32
        %rev3A_154 = vector.broadcast %rev3A_153 : i32 to vector<16xi32>
        %rev3A_155 = tpu.iota {dimensions = array<i32: 0>} : vector<16xi32>
        %rev3A_156 = arith.subi %rev3A_154, %rev3A_155 : vector<16xi32>
        %rev3A_157 = tpu.dynamic_gather %get3A_152[%rev3A_156] in [0] : vector<16xf32>, vector<16xi32> -> vector<16xf32>
        %swap3A_158 = arith.index_cast %scan3A_80 : i32 to index
        %swap3A_159 = arith.constant 80 : index
        %swap3A_160 = tpu.vector_load %arg9[%swap3A_158, %swap3A_159] {strides = array<i32>} : memref<121x121xf32, #tpu.memory_space<vmem>>, vector<1x16xf32>,
        %swap3A_161 = vector.shape_cast %swap3A_160 : vector<1x16xf32> to vector<16xf32>
        %swap3A_162 = vector.shape_cast %rev3A_157 : vector<16xf32> to vector<1x16xf32>
        tpu.vector_store %arg9[%swap3A_158, %swap3A_159], %swap3A_162 {strides = array<i32>} : memref<121x121xf32, #tpu.memory_space<vmem>>, vector<1x16xf32>,
        %get3A_163 = arith.index_cast %scan3A_80 : i32 to index
        %get3A_164 = arith.constant 9 : index
        %get3A_165 = tpu.vector_load %arg8[%get3A_163, %get3A_164] {strides = array<i32>} : memref<121x121xf32, #tpu.memory_space<vmem>>, vector<1x16xf32>,
        %get3A_166 = vector.shape_cast %get3A_165 : vector<1x16xf32> to vector<16xf32>
        %rev3A_167 = arith.constant 15 : i32
        %rev3A_168 = vector.broadcast %rev3A_167 : i32 to vector<16xi32>
        %rev3A_169 = tpu.iota {dimensions = array<i32: 0>} : vector<16xi32>
        %rev3A_170 = arith.subi %rev3A_168, %rev3A_169 : vector<16xi32>
        %rev3A_171 = tpu.dynamic_gather %get3A_166[%rev3A_170] in [0] : vector<16xf32>, vector<16xi32> -> vector<16xf32>
        %swap3A_172 = arith.index_cast %scan3A_80 : i32 to index
        %swap3A_173 = arith.constant 96 : index
        %swap3A_174 = tpu.vector_load %arg9[%swap3A_172, %swap3A_173] {strides = array<i32>} : memref<121x121xf32, #tpu.memory_space<vmem>>, vector<1x16xf32>,
        %swap3A_175 = vector.shape_cast %swap3A_174 : vector<1x16xf32> to vector<16xf32>
        %swap3A_176 = vector.shape_cast %rev3A_171 : vector<16xf32> to vector<1x16xf32>
        tpu.vector_store %arg9[%swap3A_172, %swap3A_173], %swap3A_176 {strides = array<i32>} : memref<121x121xf32, #tpu.memory_space<vmem>>, vector<1x16xf32>,
        %get3A_177 = arith.index_cast %scan3A_80 : i32 to index
        %get3A_178 = arith.constant 0 : index
        %get3A_179 = tpu.vector_load %arg8[%get3A_177, %get3A_178] {strides = array<i32>} : memref<121x121xf32, #tpu.memory_space<vmem>>, vector<1x16xf32>,
        %get3A_180 = vector.shape_cast %get3A_179 : vector<1x16xf32> to vector<16xf32>
        %rev3A_181 = arith.constant 15 : i32
        %rev3A_182 = vector.broadcast %rev3A_181 : i32 to vector<16xi32>
        %rev3A_183 = tpu.iota {dimensions = array<i32: 0>} : vector<16xi32>
        %rev3A_184 = arith.subi %rev3A_182, %rev3A_183 : vector<16xi32>
        %rev3A_185 = tpu.dynamic_gather %get3A_180[%rev3A_184] in [0] : vector<16xf32>, vector<16xi32> -> vector<16xf32>
        %swap3A_186 = arith.index_cast %scan3A_80 : i32 to index
        %swap3A_187 = arith.constant 105 : index
        %swap3A_188 = tpu.vector_load %arg9[%swap3A_186, %swap3A_187] {strides = array<i32>} : memref<121x121xf32, #tpu.memory_space<vmem>>, vector<1x16xf32>,
        %swap3A_189 = vector.shape_cast %swap3A_188 : vector<1x16xf32> to vector<16xf32>
        %swap3A_190 = vector.shape_cast %rev3A_185 : vector<16xf32> to vector<1x16xf32>
        tpu.vector_store %arg9[%swap3A_186, %swap3A_187], %swap3A_190 {strides = array<i32>} : memref<121x121xf32, #tpu.memory_space<vmem>>, vector<1x16xf32>,
      }
      %scan3A_71 = arith.constant 121 : i32
      %dma_start3A_72 = arith.constant 0 : i32
      %dma_start3A_73 = arith.constant 0 : i32
      %dma_start3A_74 = tpu.memref_slice %arg5[%min3A_24, %dma_start3A_72, %dma_start3A_73] : memref<272x121x121xf32, #tpu.memory_space<hbm>> -> memref<1x121x121xf32, #tpu.memory_space<hbm>>
      %dma_start3A_75 = tpu.memref_squeeze %dma_start3A_74 : memref<1x121x121xf32, #tpu.memory_space<hbm>> -> memref<121x121xf32, #tpu.memory_space<hbm>>
      %dma_start3A_76 = arith.constant 0 : i32
      %dma_start3A_77 = arith.constant 0 : i32
      %dma_start3A_78 = tpu.memref_slice %arg5[%min3A_24, %dma_start3A_76, %dma_start3A_77] : memref<272x121x121xf32, #tpu.memory_space<hbm>> -> memref<1x121x121xf32, #tpu.memory_space<hbm>>
      %dma_start3A_79 = tpu.memref_squeeze %dma_start3A_78 : memref<1x121x121xf32, #tpu.memory_space<hbm>> -> memref<121x121xf32, #tpu.memory_space<hbm>>
      tpu.enqueue_dma source(%arg9 : memref<121x121xf32, #tpu.memory_space<vmem>>) target(%dma_start3A_79 : memref<121x121xf32, #tpu.memory_space<hbm>>) target_semaphore(%arg11 : memref<!tpu.dma_semaphore, #tpu.memory_space<semaphore_mem>>)
    }
    %scan3A_5 = arith.constant 9 : i32
    %scan3A_6 = arith.constant 0 : i32
    %scan3A_7 = arith.constant 0 : i32
    %scan3A_8 = arith.constant 17 : i32
    %scan3A_9 = arith.addi %scan3A_7, %scan3A_8 : i32
    %scan3A_10 = arith.constant 1 : i32
    scf.for %scan3A_20 = %scan3A_7 to %scan3A_9 step %scan3A_10  : i32 {
      %mul3A_21 = arith.constant 32 : i32
      %mul3A_22 = arith.muli %mul3A_21, %scan3A_20 : i32
      %add3A_23 = arith.addi %add3A, %mul3A_22 : i32
      %jit3A = arith.constant 2 : i32
      %eq3A = arith.constant 0 : i32
      %eq3A_24 = arith.cmpi eq, %jit3A, %eq3A : i32
      %jit3A_25 = arith.constant 1 : i32
      %select_n3A = arith.select %eq3A_24, %jit3A_25, %jit3A : i32
      %rem3A = arith.remsi %add3A_23, %select_n3A : i32
      %ne3A = arith.constant 0 : i32
      %ne3A_26 = arith.cmpi ne, %rem3A, %ne3A : i32
      %lt3A = arith.constant 0 : i32
      %lt3A_27 = arith.cmpi slt, %rem3A, %lt3A : i32
      %lt3A_28 = arith.constant 0 : i32
      %lt3A_29 = arith.cmpi slt, %select_n3A, %lt3A_28 : i32
      %ne3A_30 = arith.xori %lt3A_27, %lt3A_29 : i1
      %and3A = arith.andi %ne3A_30, %ne3A_26 : i1
      %add3A_31 = arith.addi %rem3A, %select_n3A : i32
      %select_n3A_32 = arith.select %and3A, %add3A_31, %rem3A : i32
      %jit3A_33 = arith.constant 2 : i32
      %div3A = arith.divsi %add3A_23, %jit3A_33 : i32
      %sign3A = arith.constant 0 : i32
      %sign3A_34 = arith.cmpi sgt, %add3A_23, %sign3A : i32
      %sign3A_35 = arith.extui %sign3A_34 : i1 to i32
      %sign3A_36 = arith.constant 0 : i32
      %sign3A_37 = arith.cmpi slt, %add3A_23, %sign3A_36 : i32
      %sign3A_38 = arith.extui %sign3A_37 : i1 to i32
      %sign3A_39 = arith.subi %sign3A_35, %sign3A_38 : i32
      %sign3A_40 = arith.constant 0 : i32
      %sign3A_41 = arith.cmpi sgt, %jit3A_33, %sign3A_40 : i32
      %sign3A_42 = arith.extui %sign3A_41 : i1 to i32
      %sign3A_43 = arith.constant 0 : i32
      %sign3A_44 = arith.cmpi slt, %jit3A_33, %sign3A_43 : i32
      %sign3A_45 = arith.extui %sign3A_44 : i1 to i32
      %sign3A_46 = arith.subi %sign3A_42, %sign3A_45 : i32
      %ne3A_47 = arith.cmpi ne, %sign3A_39, %sign3A_46 : i32
      %rem3A_48 = arith.remsi %add3A_23, %jit3A_33 : i32
      %ne3A_49 = arith.constant 0 : i32
      %ne3A_50 = arith.cmpi ne, %rem3A_48, %ne3A_49 : i32
      %and3A_51 = arith.andi %ne3A_47, %ne3A_50 : i1
      %sub3A = arith.constant 1 : i32
      %sub3A_52 = arith.subi %div3A, %sub3A : i32
      %select_n3A_53 = arith.select %and3A_51, %sub3A_52, %div3A : i32
      %jit3A_54 = arith.constant 17 : i32
      %div3A_55 = arith.divsi %select_n3A_53, %jit3A_54 : i32
      %sign3A_56 = arith.constant 0 : i32
      %sign3A_57 = arith.cmpi sgt, %select_n3A_53, %sign3A_56 : i32
      %sign3A_58 = arith.extui %sign3A_57 : i1 to i32
      %sign3A_59 = arith.constant 0 : i32
      %sign3A_60 = arith.cmpi slt, %select_n3A_53, %sign3A_59 : i32
      %sign3A_61 = arith.extui %sign3A_60 : i1 to i32
      %sign3A_62 = arith.subi %sign3A_58, %sign3A_61 : i32
      %sign3A_63 = arith.constant 0 : i32
      %sign3A_64 = arith.cmpi sgt, %jit3A_54, %sign3A_63 : i32
      %sign3A_65 = arith.extui %sign3A_64 : i1 to i32
      %sign3A_66 = arith.constant 0 : i32
      %sign3A_67 = arith.cmpi slt, %jit3A_54, %sign3A_66 : i32
      %sign3A_68 = arith.extui %sign3A_67 : i1 to i32
      %sign3A_69 = arith.subi %sign3A_65, %sign3A_68 : i32
      %ne3A_70 = arith.cmpi ne, %sign3A_62, %sign3A_69 : i32
      %rem3A_71 = arith.remsi %select_n3A_53, %jit3A_54 : i32
      %ne3A_72 = arith.constant 0 : i32
      %ne3A_73 = arith.cmpi ne, %rem3A_71, %ne3A_72 : i32
      %and3A_74 = arith.andi %ne3A_70, %ne3A_73 : i1
      %sub3A_75 = arith.constant 1 : i32
      %sub3A_76 = arith.subi %div3A_55, %sub3A_75 : i32
      %select_n3A_77 = arith.select %and3A_74, %sub3A_76, %div3A_55 : i32
      %mul3A_78 = arith.constant 17 : i32
      %mul3A_79 = arith.muli %select_n3A_77, %mul3A_78 : i32
      %sub3A_80 = arith.subi %select_n3A_53, %mul3A_79 : i32
      %mul3A_81 = arith.constant 17 : i32
      %mul3A_82 = arith.muli %select_n3A_77, %mul3A_81 : i32
      %get3A = arith.index_cast %sub3A_80 : i32 to index
      %get3A_83 = tpu.vector_load %arg7[%get3A] {strides = array<i32>} : memref<32xi32, #tpu.memory_space<vmem>>, vector<16xi32>,
      %get3A_84 = vector.shape_cast %get3A_83 : vector<16xi32> to vector<16xi32>
      %slice3A = vector.extract_strided_slice %get3A_84 {offsets = [0], sizes = [1], strides = [1]} : vector<16xi32> to vector<1xi32>
      %squeeze3A = vector.extract %slice3A[0] : i32 from vector<1xi32>
      %add3A_85 = arith.addi %mul3A_82, %squeeze3A : i32
      %mul3A_86 = arith.constant 2 : i32
      %mul3A_87 = arith.muli %add3A_85, %mul3A_86 : i32
      %add3A_88 = arith.addi %mul3A_87, %select_n3A_32 : i32
      %dma_start3A = arith.constant 0 : i32
      %dma_start3A_89 = arith.constant 0 : i32
      %dma_start3A_90 = tpu.memref_slice %arg3[%add3A_88, %dma_start3A, %dma_start3A_89] : memref<544x121x121xf32, #tpu.memory_space<hbm>> -> memref<1x121x121xf32, #tpu.memory_space<hbm>>
      %dma_start3A_91 = tpu.memref_squeeze %dma_start3A_90 : memref<1x121x121xf32, #tpu.memory_space<hbm>> -> memref<121x121xf32, #tpu.memory_space<hbm>>
      %dma_start3A_92 = arith.constant 0 : i32
      %dma_start3A_93 = arith.constant 0 : i32
      %dma_start3A_94 = tpu.memref_slice %arg3[%add3A_88, %dma_start3A_92, %dma_start3A_93] : memref<544x121x121xf32, #tpu.memory_space<hbm>> -> memref<1x121x121xf32, #tpu.memory_space<hbm>>
      %dma_start3A_95 = tpu.memref_squeeze %dma_start3A_94 : memref<1x121x121xf32, #tpu.memory_space<hbm>> -> memref<121x121xf32, #tpu.memory_space<hbm>>
      tpu.enqueue_dma source(%dma_start3A_95 : memref<121x121xf32, #tpu.memory_space<hbm>>) target(%arg8 : memref<121x121xf32, #tpu.memory_space<vmem>>) target_semaphore(%arg10 : memref<!tpu.dma_semaphore, #tpu.memory_space<semaphore_mem>>)
      %eq3A_96 = arith.constant 0 : i32
      %eq3A_97 = arith.cmpi eq, %scan3A_20, %eq3A_96 : i32
      %convert_element_type3A = arith.extui %eq3A_97 : i1 to i32
      %cond3A = arith.constant 0 : i32
      %cond3A_98 = arith.cmpi ne, %convert_element_type3A, %cond3A : i32
      scf.if %cond3A_98 {
        %dma_wait3A_129 = arith.constant 0 : i32
        %dma_wait3A_130 = arith.constant 0 : i32
        %dma_wait3A_131 = arith.constant 0 : i32
        %dma_wait3A_132 = tpu.memref_slice %arg5[%dma_wait3A_129, %dma_wait3A_130, %dma_wait3A_131] : memref<272x121x121xf32, #tpu.memory_space<hbm>> -> memref<1x121x121xf32, #tpu.memory_space<hbm>>
        %dma_wait3A_133 = tpu.memref_squeeze %dma_wait3A_132 : memref<1x121x121xf32, #tpu.memory_space<hbm>> -> memref<121x121xf32, #tpu.memory_space<hbm>>
        %dma_wait3A_134 = arith.constant 0 : i32
        %dma_wait3A_135 = arith.constant 0 : i32
        %dma_wait3A_136 = tpu.memref_slice %arg5[%dma_wait3A_129, %dma_wait3A_134, %dma_wait3A_135] : memref<272x121x121xf32, #tpu.memory_space<hbm>> -> memref<1x121x121xf32, #tpu.memory_space<hbm>>
        %dma_wait3A_137 = tpu.memref_squeeze %dma_wait3A_136 : memref<1x121x121xf32, #tpu.memory_space<hbm>> -> memref<121x121xf32, #tpu.memory_space<hbm>>
        tpu.wait_dma2 semaphore(%arg11 : memref<!tpu.dma_semaphore, #tpu.memory_space<semaphore_mem>>) src(%arg9 : memref<121x121xf32, #tpu.memory_space<vmem>>) dst(%dma_wait3A_137 : memref<121x121xf32, #tpu.memory_space<hbm>>)
      } else {
      }
      %gt3A = arith.constant 0 : i32
      %gt3A_99 = arith.cmpi sgt, %scan3A_20, %gt3A : i32
      %convert_element_type3A_100 = arith.extui %gt3A_99 : i1 to i32
      %cond3A_101 = arith.constant 0 : i32
      %cond3A_102 = arith.cmpi ne, %convert_element_type3A_100, %cond3A_101 : i32
      scf.if %cond3A_102 {
        %dma_wait3A_129 = arith.constant 0 : i32
        %dma_wait3A_130 = arith.constant 0 : i32
        %dma_wait3A_131 = arith.constant 0 : i32
        %dma_wait3A_132 = tpu.memref_slice %arg6[%dma_wait3A_129, %dma_wait3A_130, %dma_wait3A_131] : memref<544x121x121xf32, #tpu.memory_space<hbm>> -> memref<1x121x121xf32, #tpu.memory_space<hbm>>
        %dma_wait3A_133 = tpu.memref_squeeze %dma_wait3A_132 : memref<1x121x121xf32, #tpu.memory_space<hbm>> -> memref<121x121xf32, #tpu.memory_space<hbm>>
        %dma_wait3A_134 = arith.constant 0 : i32
        %dma_wait3A_135 = arith.constant 0 : i32
        %dma_wait3A_136 = tpu.memref_slice %arg6[%dma_wait3A_129, %dma_wait3A_134, %dma_wait3A_135] : memref<544x121x121xf32, #tpu.memory_space<hbm>> -> memref<1x121x121xf32, #tpu.memory_space<hbm>>
        %dma_wait3A_137 = tpu.memref_squeeze %dma_wait3A_136 : memref<1x121x121xf32, #tpu.memory_space<hbm>> -> memref<121x121xf32, #tpu.memory_space<hbm>>
        tpu.wait_dma2 semaphore(%arg11 : memref<!tpu.dma_semaphore, #tpu.memory_space<semaphore_mem>>) src(%arg9 : memref<121x121xf32, #tpu.memory_space<vmem>>) dst(%dma_wait3A_137 : memref<121x121xf32, #tpu.memory_space<hbm>>)
      } else {
      }
      %dma_wait3A_103 = arith.constant 0 : i32
      %dma_wait3A_104 = arith.constant 0 : i32
      %dma_wait3A_105 = tpu.memref_slice %arg3[%add3A_88, %dma_wait3A_103, %dma_wait3A_104] : memref<544x121x121xf32, #tpu.memory_space<hbm>> -> memref<1x121x121xf32, #tpu.memory_space<hbm>>
      %dma_wait3A_106 = tpu.memref_squeeze %dma_wait3A_105 : memref<1x121x121xf32, #tpu.memory_space<hbm>> -> memref<121x121xf32, #tpu.memory_space<hbm>>
      %dma_wait3A_107 = arith.constant 0 : i32
      %dma_wait3A_108 = arith.constant 0 : i32
      %dma_wait3A_109 = tpu.memref_slice %arg3[%add3A_88, %dma_wait3A_107, %dma_wait3A_108] : memref<544x121x121xf32, #tpu.memory_space<hbm>> -> memref<1x121x121xf32, #tpu.memory_space<hbm>>
      %dma_wait3A_110 = tpu.memref_squeeze %dma_wait3A_109 : memref<1x121x121xf32, #tpu.memory_space<hbm>> -> memref<121x121xf32, #tpu.memory_space<hbm>>
      tpu.wait_dma2 semaphore(%arg10 : memref<!tpu.dma_semaphore, #tpu.memory_space<semaphore_mem>>) src(%dma_wait3A_110 : memref<121x121xf32, #tpu.memory_space<hbm>>) dst(%arg8 : memref<121x121xf32, #tpu.memory_space<vmem>>)
      %eq3A_111 = arith.constant 0 : i32
      %eq3A_112 = arith.cmpi eq, %select_n3A_32, %eq3A_111 : i32
      %convert_element_type3A_113 = arith.extui %eq3A_112 : i1 to i32
      %cond3A_114 = arith.constant 0 : i32
      %cond3A_115 = arith.cmpi ne, %convert_element_type3A_113, %cond3A_114 : i32
      scf.if %cond3A_115 {
        %scan3A_129 = arith.constant 0 : i32
        %scan3A_130 = arith.constant 0 : i32
        %scan3A_131 = arith.constant 121 : i32
        %scan3A_132 = arith.addi %scan3A_130, %scan3A_131 : i32
        %scan3A_133 = arith.constant 1 : i32
        scf.for %scan3A_135 = %scan3A_130 to %scan3A_132 step %scan3A_133  : i32 {
          %get3A_136 = arith.index_cast %scan3A_135 : i32 to index
          %get3A_137 = arith.constant 105 : index
          %get3A_138 = tpu.vector_load %arg8[%get3A_136, %get3A_137] {strides = array<i32>} : memref<121x121xf32, #tpu.memory_space<vmem>>, vector<1x16xf32>,
          %get3A_139 = vector.shape_cast %get3A_138 : vector<1x16xf32> to vector<16xf32>
          %rev3A = arith.constant 15 : i32
          %rev3A_140 = vector.broadcast %rev3A : i32 to vector<16xi32>
          %rev3A_141 = tpu.iota {dimensions = array<i32: 0>} : vector<16xi32>
          %rev3A_142 = arith.subi %rev3A_140, %rev3A_141 : vector<16xi32>
          %rev3A_143 = tpu.dynamic_gather %get3A_139[%rev3A_142] in [0] : vector<16xf32>, vector<16xi32> -> vector<16xf32>
          %neg3A = arith.constant 0.000000e+00 : f32
          %neg3A_144 = vector.broadcast %neg3A : f32 to vector<16xf32>
          %neg3A_145 = arith.subf %neg3A_144, %rev3A_143 : vector<16xf32>
          %swap3A = arith.index_cast %scan3A_135 : i32 to index
          %swap3A_146 = arith.constant 0 : index
          %swap3A_147 = tpu.vector_load %arg9[%swap3A, %swap3A_146] {strides = array<i32>} : memref<121x121xf32, #tpu.memory_space<vmem>>, vector<1x16xf32>,
          %swap3A_148 = vector.shape_cast %swap3A_147 : vector<1x16xf32> to vector<16xf32>
          %swap3A_149 = vector.shape_cast %neg3A_145 : vector<16xf32> to vector<1x16xf32>
          tpu.vector_store %arg9[%swap3A, %swap3A_146], %swap3A_149 {strides = array<i32>} : memref<121x121xf32, #tpu.memory_space<vmem>>, vector<1x16xf32>,
          %get3A_150 = arith.index_cast %scan3A_135 : i32 to index
          %get3A_151 = arith.constant 89 : index
          %get3A_152 = tpu.vector_load %arg8[%get3A_150, %get3A_151] {strides = array<i32>} : memref<121x121xf32, #tpu.memory_space<vmem>>, vector<1x16xf32>,
          %get3A_153 = vector.shape_cast %get3A_152 : vector<1x16xf32> to vector<16xf32>
          %rev3A_154 = arith.constant 15 : i32
          %rev3A_155 = vector.broadcast %rev3A_154 : i32 to vector<16xi32>
          %rev3A_156 = tpu.iota {dimensions = array<i32: 0>} : vector<16xi32>
          %rev3A_157 = arith.subi %rev3A_155, %rev3A_156 : vector<16xi32>
          %rev3A_158 = tpu.dynamic_gather %get3A_153[%rev3A_157] in [0] : vector<16xf32>, vector<16xi32> -> vector<16xf32>
          %neg3A_159 = arith.constant 0.000000e+00 : f32
          %neg3A_160 = vector.broadcast %neg3A_159 : f32 to vector<16xf32>
          %neg3A_161 = arith.subf %neg3A_160, %rev3A_158 : vector<16xf32>
          %swap3A_162 = arith.index_cast %scan3A_135 : i32 to index
          %swap3A_163 = arith.constant 16 : index
          %swap3A_164 = tpu.vector_load %arg9[%swap3A_162, %swap3A_163] {strides = array<i32>} : memref<121x121xf32, #tpu.memory_space<vmem>>, vector<1x16xf32>,
          %swap3A_165 = vector.shape_cast %swap3A_164 : vector<1x16xf32> to vector<16xf32>
          %swap3A_166 = vector.shape_cast %neg3A_161 : vector<16xf32> to vector<1x16xf32>
          tpu.vector_store %arg9[%swap3A_162, %swap3A_163], %swap3A_166 {strides = array<i32>} : memref<121x121xf32, #tpu.memory_space<vmem>>, vector<1x16xf32>,
          %get3A_167 = arith.index_cast %scan3A_135 : i32 to index
          %get3A_168 = arith.constant 73 : index
          %get3A_169 = tpu.vector_load %arg8[%get3A_167, %get3A_168] {strides = array<i32>} : memref<121x121xf32, #tpu.memory_space<vmem>>, vector<1x16xf32>,
          %get3A_170 = vector.shape_cast %get3A_169 : vector<1x16xf32> to vector<16xf32>
          %rev3A_171 = arith.constant 15 : i32
          %rev3A_172 = vector.broadcast %rev3A_171 : i32 to vector<16xi32>
          %rev3A_173 = tpu.iota {dimensions = array<i32: 0>} : vector<16xi32>
          %rev3A_174 = arith.subi %rev3A_172, %rev3A_173 : vector<16xi32>
          %rev3A_175 = tpu.dynamic_gather %get3A_170[%rev3A_174] in [0] : vector<16xf32>, vector<16xi32> -> vector<16xf32>
          %neg3A_176 = arith.constant 0.000000e+00 : f32
          %neg3A_177 = vector.broadcast %neg3A_176 : f32 to vector<16xf32>
          %neg3A_178 = arith.subf %neg3A_177, %rev3A_175 : vector<16xf32>
          %swap3A_179 = arith.index_cast %scan3A_135 : i32 to index
          %swap3A_180 = arith.constant 32 : index
          %swap3A_181 = tpu.vector_load %arg9[%swap3A_179, %swap3A_180] {strides = array<i32>} : memref<121x121xf32, #tpu.memory_space<vmem>>, vector<1x16xf32>,
          %swap3A_182 = vector.shape_cast %swap3A_181 : vector<1x16xf32> to vector<16xf32>
          %swap3A_183 = vector.shape_cast %neg3A_178 : vector<16xf32> to vector<1x16xf32>
          tpu.vector_store %arg9[%swap3A_179, %swap3A_180], %swap3A_183 {strides = array<i32>} : memref<121x121xf32, #tpu.memory_space<vmem>>, vector<1x16xf32>,
          %get3A_184 = arith.index_cast %scan3A_135 : i32 to index
          %get3A_185 = arith.constant 57 : index
          %get3A_186 = tpu.vector_load %arg8[%get3A_184, %get3A_185] {strides = array<i32>} : memref<121x121xf32, #tpu.memory_space<vmem>>, vector<1x16xf32>,
          %get3A_187 = vector.shape_cast %get3A_186 : vector<1x16xf32> to vector<16xf32>
          %rev3A_188 = arith.constant 15 : i32
          %rev3A_189 = vector.broadcast %rev3A_188 : i32 to vector<16xi32>
          %rev3A_190 = tpu.iota {dimensions = array<i32: 0>} : vector<16xi32>
          %rev3A_191 = arith.subi %rev3A_189, %rev3A_190 : vector<16xi32>
          %rev3A_192 = tpu.dynamic_gather %get3A_187[%rev3A_191] in [0] : vector<16xf32>, vector<16xi32> -> vector<16xf32>
          %neg3A_193 = arith.constant 0.000000e+00 : f32
          %neg3A_194 = vector.broadcast %neg3A_193 : f32 to vector<16xf32>
          %neg3A_195 = arith.subf %neg3A_194, %rev3A_192 : vector<16xf32>
          %swap3A_196 = arith.index_cast %scan3A_135 : i32 to index
          %swap3A_197 = arith.constant 48 : index
          %swap3A_198 = tpu.vector_load %arg9[%swap3A_196, %swap3A_197] {strides = array<i32>} : memref<121x121xf32, #tpu.memory_space<vmem>>, vector<1x16xf32>,
          %swap3A_199 = vector.shape_cast %swap3A_198 : vector<1x16xf32> to vector<16xf32>
          %swap3A_200 = vector.shape_cast %neg3A_195 : vector<16xf32> to vector<1x16xf32>
          tpu.vector_store %arg9[%swap3A_196, %swap3A_197], %swap3A_200 {strides = array<i32>} : memref<121x121xf32, #tpu.memory_space<vmem>>, vector<1x16xf32>,
          %get3A_201 = arith.index_cast %scan3A_135 : i32 to index
          %get3A_202 = arith.constant 41 : index
          %get3A_203 = tpu.vector_load %arg8[%get3A_201, %get3A_202] {strides = array<i32>} : memref<121x121xf32, #tpu.memory_space<vmem>>, vector<1x16xf32>,
          %get3A_204 = vector.shape_cast %get3A_203 : vector<1x16xf32> to vector<16xf32>
          %rev3A_205 = arith.constant 15 : i32
          %rev3A_206 = vector.broadcast %rev3A_205 : i32 to vector<16xi32>
          %rev3A_207 = tpu.iota {dimensions = array<i32: 0>} : vector<16xi32>
          %rev3A_208 = arith.subi %rev3A_206, %rev3A_207 : vector<16xi32>
          %rev3A_209 = tpu.dynamic_gather %get3A_204[%rev3A_208] in [0] : vector<16xf32>, vector<16xi32> -> vector<16xf32>
          %neg3A_210 = arith.constant 0.000000e+00 : f32
          %neg3A_211 = vector.broadcast %neg3A_210 : f32 to vector<16xf32>
          %neg3A_212 = arith.subf %neg3A_211, %rev3A_209 : vector<16xf32>
          %swap3A_213 = arith.index_cast %scan3A_135 : i32 to index
          %swap3A_214 = arith.constant 64 : index
          %swap3A_215 = tpu.vector_load %arg9[%swap3A_213, %swap3A_214] {strides = array<i32>} : memref<121x121xf32, #tpu.memory_space<vmem>>, vector<1x16xf32>,
          %swap3A_216 = vector.shape_cast %swap3A_215 : vector<1x16xf32> to vector<16xf32>
          %swap3A_217 = vector.shape_cast %neg3A_212 : vector<16xf32> to vector<1x16xf32>
          tpu.vector_store %arg9[%swap3A_213, %swap3A_214], %swap3A_217 {strides = array<i32>} : memref<121x121xf32, #tpu.memory_space<vmem>>, vector<1x16xf32>,
          %get3A_218 = arith.index_cast %scan3A_135 : i32 to index
          %get3A_219 = arith.constant 25 : index
          %get3A_220 = tpu.vector_load %arg8[%get3A_218, %get3A_219] {strides = array<i32>} : memref<121x121xf32, #tpu.memory_space<vmem>>, vector<1x16xf32>,
          %get3A_221 = vector.shape_cast %get3A_220 : vector<1x16xf32> to vector<16xf32>
          %rev3A_222 = arith.constant 15 : i32
          %rev3A_223 = vector.broadcast %rev3A_222 : i32 to vector<16xi32>
          %rev3A_224 = tpu.iota {dimensions = array<i32: 0>} : vector<16xi32>
          %rev3A_225 = arith.subi %rev3A_223, %rev3A_224 : vector<16xi32>
          %rev3A_226 = tpu.dynamic_gather %get3A_221[%rev3A_225] in [0] : vector<16xf32>, vector<16xi32> -> vector<16xf32>
          %neg3A_227 = arith.constant 0.000000e+00 : f32
          %neg3A_228 = vector.broadcast %neg3A_227 : f32 to vector<16xf32>
          %neg3A_229 = arith.subf %neg3A_228, %rev3A_226 : vector<16xf32>
          %swap3A_230 = arith.index_cast %scan3A_135 : i32 to index
          %swap3A_231 = arith.constant 80 : index
          %swap3A_232 = tpu.vector_load %arg9[%swap3A_230, %swap3A_231] {strides = array<i32>} : memref<121x121xf32, #tpu.memory_space<vmem>>, vector<1x16xf32>,
          %swap3A_233 = vector.shape_cast %swap3A_232 : vector<1x16xf32> to vector<16xf32>
          %swap3A_234 = vector.shape_cast %neg3A_229 : vector<16xf32> to vector<1x16xf32>
          tpu.vector_store %arg9[%swap3A_230, %swap3A_231], %swap3A_234 {strides = array<i32>} : memref<121x121xf32, #tpu.memory_space<vmem>>, vector<1x16xf32>,
          %get3A_235 = arith.index_cast %scan3A_135 : i32 to index
          %get3A_236 = arith.constant 9 : index
          %get3A_237 = tpu.vector_load %arg8[%get3A_235, %get3A_236] {strides = array<i32>} : memref<121x121xf32, #tpu.memory_space<vmem>>, vector<1x16xf32>,
          %get3A_238 = vector.shape_cast %get3A_237 : vector<1x16xf32> to vector<16xf32>
          %rev3A_239 = arith.constant 15 : i32
          %rev3A_240 = vector.broadcast %rev3A_239 : i32 to vector<16xi32>
          %rev3A_241 = tpu.iota {dimensions = array<i32: 0>} : vector<16xi32>
          %rev3A_242 = arith.subi %rev3A_240, %rev3A_241 : vector<16xi32>
          %rev3A_243 = tpu.dynamic_gather %get3A_238[%rev3A_242] in [0] : vector<16xf32>, vector<16xi32> -> vector<16xf32>
          %neg3A_244 = arith.constant 0.000000e+00 : f32
          %neg3A_245 = vector.broadcast %neg3A_244 : f32 to vector<16xf32>
          %neg3A_246 = arith.subf %neg3A_245, %rev3A_243 : vector<16xf32>
          %swap3A_247 = arith.index_cast %scan3A_135 : i32 to index
          %swap3A_248 = arith.constant 96 : index
          %swap3A_249 = tpu.vector_load %arg9[%swap3A_247, %swap3A_248] {strides = array<i32>} : memref<121x121xf32, #tpu.memory_space<vmem>>, vector<1x16xf32>,
          %swap3A_250 = vector.shape_cast %swap3A_249 : vector<1x16xf32> to vector<16xf32>
          %swap3A_251 = vector.shape_cast %neg3A_246 : vector<16xf32> to vector<1x16xf32>
          tpu.vector_store %arg9[%swap3A_247, %swap3A_248], %swap3A_251 {strides = array<i32>} : memref<121x121xf32, #tpu.memory_space<vmem>>, vector<1x16xf32>,
          %get3A_252 = arith.index_cast %scan3A_135 : i32 to index
          %get3A_253 = arith.constant 0 : index
          %get3A_254 = tpu.vector_load %arg8[%get3A_252, %get3A_253] {strides = array<i32>} : memref<121x121xf32, #tpu.memory_space<vmem>>, vector<1x16xf32>,
          %get3A_255 = vector.shape_cast %get3A_254 : vector<1x16xf32> to vector<16xf32>
          %rev3A_256 = arith.constant 15 : i32
          %rev3A_257 = vector.broadcast %rev3A_256 : i32 to vector<16xi32>
          %rev3A_258 = tpu.iota {dimensions = array<i32: 0>} : vector<16xi32>
          %rev3A_259 = arith.subi %rev3A_257, %rev3A_258 : vector<16xi32>
          %rev3A_260 = tpu.dynamic_gather %get3A_255[%rev3A_259] in [0] : vector<16xf32>, vector<16xi32> -> vector<16xf32>
          %neg3A_261 = arith.constant 0.000000e+00 : f32
          %neg3A_262 = vector.broadcast %neg3A_261 : f32 to vector<16xf32>
          %neg3A_263 = arith.subf %neg3A_262, %rev3A_260 : vector<16xf32>
          %swap3A_264 = arith.index_cast %scan3A_135 : i32 to index
          %swap3A_265 = arith.constant 105 : index
          %swap3A_266 = tpu.vector_load %arg9[%swap3A_264, %swap3A_265] {strides = array<i32>} : memref<121x121xf32, #tpu.memory_space<vmem>>, vector<1x16xf32>,
          %swap3A_267 = vector.shape_cast %swap3A_266 : vector<1x16xf32> to vector<16xf32>
          %swap3A_268 = vector.shape_cast %neg3A_263 : vector<16xf32> to vector<1x16xf32>
          tpu.vector_store %arg9[%swap3A_264, %swap3A_265], %swap3A_268 {strides = array<i32>} : memref<121x121xf32, #tpu.memory_space<vmem>>, vector<1x16xf32>,
        }
        %scan3A_134 = arith.constant 121 : i32
      } else {
      }
      %ne3A_116 = arith.constant 0 : i32
      %ne3A_117 = arith.cmpi ne, %select_n3A_32, %ne3A_116 : i32
      %convert_element_type3A_118 = arith.extui %ne3A_117 : i1 to i32
      %cond3A_119 = arith.constant 0 : i32
      %cond3A_120 = arith.cmpi ne, %convert_element_type3A_118, %cond3A_119 : i32
      scf.if %cond3A_120 {
        %scan3A_129 = arith.constant 0 : i32
        %scan3A_130 = arith.constant 0 : i32
        %scan3A_131 = arith.constant 121 : i32
        %scan3A_132 = arith.addi %scan3A_130, %scan3A_131 : i32
        %scan3A_133 = arith.constant 1 : i32
        scf.for %scan3A_135 = %scan3A_130 to %scan3A_132 step %scan3A_133  : i32 {
          %get3A_136 = arith.index_cast %scan3A_135 : i32 to index
          %get3A_137 = arith.constant 105 : index
          %get3A_138 = tpu.vector_load %arg8[%get3A_136, %get3A_137] {strides = array<i32>} : memref<121x121xf32, #tpu.memory_space<vmem>>, vector<1x16xf32>,
          %get3A_139 = vector.shape_cast %get3A_138 : vector<1x16xf32> to vector<16xf32>
          %rev3A = arith.constant 15 : i32
          %rev3A_140 = vector.broadcast %rev3A : i32 to vector<16xi32>
          %rev3A_141 = tpu.iota {dimensions = array<i32: 0>} : vector<16xi32>
          %rev3A_142 = arith.subi %rev3A_140, %rev3A_141 : vector<16xi32>
          %rev3A_143 = tpu.dynamic_gather %get3A_139[%rev3A_142] in [0] : vector<16xf32>, vector<16xi32> -> vector<16xf32>
          %swap3A = arith.index_cast %scan3A_135 : i32 to index
          %swap3A_144 = arith.constant 0 : index
          %swap3A_145 = tpu.vector_load %arg9[%swap3A, %swap3A_144] {strides = array<i32>} : memref<121x121xf32, #tpu.memory_space<vmem>>, vector<1x16xf32>,
          %swap3A_146 = vector.shape_cast %swap3A_145 : vector<1x16xf32> to vector<16xf32>
          %swap3A_147 = vector.shape_cast %rev3A_143 : vector<16xf32> to vector<1x16xf32>
          tpu.vector_store %arg9[%swap3A, %swap3A_144], %swap3A_147 {strides = array<i32>} : memref<121x121xf32, #tpu.memory_space<vmem>>, vector<1x16xf32>,
          %get3A_148 = arith.index_cast %scan3A_135 : i32 to index
          %get3A_149 = arith.constant 89 : index
          %get3A_150 = tpu.vector_load %arg8[%get3A_148, %get3A_149] {strides = array<i32>} : memref<121x121xf32, #tpu.memory_space<vmem>>, vector<1x16xf32>,
          %get3A_151 = vector.shape_cast %get3A_150 : vector<1x16xf32> to vector<16xf32>
          %rev3A_152 = arith.constant 15 : i32
          %rev3A_153 = vector.broadcast %rev3A_152 : i32 to vector<16xi32>
          %rev3A_154 = tpu.iota {dimensions = array<i32: 0>} : vector<16xi32>
          %rev3A_155 = arith.subi %rev3A_153, %rev3A_154 : vector<16xi32>
          %rev3A_156 = tpu.dynamic_gather %get3A_151[%rev3A_155] in [0] : vector<16xf32>, vector<16xi32> -> vector<16xf32>
          %swap3A_157 = arith.index_cast %scan3A_135 : i32 to index
          %swap3A_158 = arith.constant 16 : index
          %swap3A_159 = tpu.vector_load %arg9[%swap3A_157, %swap3A_158] {strides = array<i32>} : memref<121x121xf32, #tpu.memory_space<vmem>>, vector<1x16xf32>,
          %swap3A_160 = vector.shape_cast %swap3A_159 : vector<1x16xf32> to vector<16xf32>
          %swap3A_161 = vector.shape_cast %rev3A_156 : vector<16xf32> to vector<1x16xf32>
          tpu.vector_store %arg9[%swap3A_157, %swap3A_158], %swap3A_161 {strides = array<i32>} : memref<121x121xf32, #tpu.memory_space<vmem>>, vector<1x16xf32>,
          %get3A_162 = arith.index_cast %scan3A_135 : i32 to index
          %get3A_163 = arith.constant 73 : index
          %get3A_164 = tpu.vector_load %arg8[%get3A_162, %get3A_163] {strides = array<i32>} : memref<121x121xf32, #tpu.memory_space<vmem>>, vector<1x16xf32>,
          %get3A_165 = vector.shape_cast %get3A_164 : vector<1x16xf32> to vector<16xf32>
          %rev3A_166 = arith.constant 15 : i32
          %rev3A_167 = vector.broadcast %rev3A_166 : i32 to vector<16xi32>
          %rev3A_168 = tpu.iota {dimensions = array<i32: 0>} : vector<16xi32>
          %rev3A_169 = arith.subi %rev3A_167, %rev3A_168 : vector<16xi32>
          %rev3A_170 = tpu.dynamic_gather %get3A_165[%rev3A_169] in [0] : vector<16xf32>, vector<16xi32> -> vector<16xf32>
          %swap3A_171 = arith.index_cast %scan3A_135 : i32 to index
          %swap3A_172 = arith.constant 32 : index
          %swap3A_173 = tpu.vector_load %arg9[%swap3A_171, %swap3A_172] {strides = array<i32>} : memref<121x121xf32, #tpu.memory_space<vmem>>, vector<1x16xf32>,
          %swap3A_174 = vector.shape_cast %swap3A_173 : vector<1x16xf32> to vector<16xf32>
          %swap3A_175 = vector.shape_cast %rev3A_170 : vector<16xf32> to vector<1x16xf32>
          tpu.vector_store %arg9[%swap3A_171, %swap3A_172], %swap3A_175 {strides = array<i32>} : memref<121x121xf32, #tpu.memory_space<vmem>>, vector<1x16xf32>,
          %get3A_176 = arith.index_cast %scan3A_135 : i32 to index
          %get3A_177 = arith.constant 57 : index
          %get3A_178 = tpu.vector_load %arg8[%get3A_176, %get3A_177] {strides = array<i32>} : memref<121x121xf32, #tpu.memory_space<vmem>>, vector<1x16xf32>,
          %get3A_179 = vector.shape_cast %get3A_178 : vector<1x16xf32> to vector<16xf32>
          %rev3A_180 = arith.constant 15 : i32
          %rev3A_181 = vector.broadcast %rev3A_180 : i32 to vector<16xi32>
          %rev3A_182 = tpu.iota {dimensions = array<i32: 0>} : vector<16xi32>
          %rev3A_183 = arith.subi %rev3A_181, %rev3A_182 : vector<16xi32>
          %rev3A_184 = tpu.dynamic_gather %get3A_179[%rev3A_183] in [0] : vector<16xf32>, vector<16xi32> -> vector<16xf32>
          %swap3A_185 = arith.index_cast %scan3A_135 : i32 to index
          %swap3A_186 = arith.constant 48 : index
          %swap3A_187 = tpu.vector_load %arg9[%swap3A_185, %swap3A_186] {strides = array<i32>} : memref<121x121xf32, #tpu.memory_space<vmem>>, vector<1x16xf32>,
          %swap3A_188 = vector.shape_cast %swap3A_187 : vector<1x16xf32> to vector<16xf32>
          %swap3A_189 = vector.shape_cast %rev3A_184 : vector<16xf32> to vector<1x16xf32>
          tpu.vector_store %arg9[%swap3A_185, %swap3A_186], %swap3A_189 {strides = array<i32>} : memref<121x121xf32, #tpu.memory_space<vmem>>, vector<1x16xf32>,
          %get3A_190 = arith.index_cast %scan3A_135 : i32 to index
          %get3A_191 = arith.constant 41 : index
          %get3A_192 = tpu.vector_load %arg8[%get3A_190, %get3A_191] {strides = array<i32>} : memref<121x121xf32, #tpu.memory_space<vmem>>, vector<1x16xf32>,
          %get3A_193 = vector.shape_cast %get3A_192 : vector<1x16xf32> to vector<16xf32>
          %rev3A_194 = arith.constant 15 : i32
          %rev3A_195 = vector.broadcast %rev3A_194 : i32 to vector<16xi32>
          %rev3A_196 = tpu.iota {dimensions = array<i32: 0>} : vector<16xi32>
          %rev3A_197 = arith.subi %rev3A_195, %rev3A_196 : vector<16xi32>
          %rev3A_198 = tpu.dynamic_gather %get3A_193[%rev3A_197] in [0] : vector<16xf32>, vector<16xi32> -> vector<16xf32>
          %swap3A_199 = arith.index_cast %scan3A_135 : i32 to index
          %swap3A_200 = arith.constant 64 : index
          %swap3A_201 = tpu.vector_load %arg9[%swap3A_199, %swap3A_200] {strides = array<i32>} : memref<121x121xf32, #tpu.memory_space<vmem>>, vector<1x16xf32>,
          %swap3A_202 = vector.shape_cast %swap3A_201 : vector<1x16xf32> to vector<16xf32>
          %swap3A_203 = vector.shape_cast %rev3A_198 : vector<16xf32> to vector<1x16xf32>
          tpu.vector_store %arg9[%swap3A_199, %swap3A_200], %swap3A_203 {strides = array<i32>} : memref<121x121xf32, #tpu.memory_space<vmem>>, vector<1x16xf32>,
          %get3A_204 = arith.index_cast %scan3A_135 : i32 to index
          %get3A_205 = arith.constant 25 : index
          %get3A_206 = tpu.vector_load %arg8[%get3A_204, %get3A_205] {strides = array<i32>} : memref<121x121xf32, #tpu.memory_space<vmem>>, vector<1x16xf32>,
          %get3A_207 = vector.shape_cast %get3A_206 : vector<1x16xf32> to vector<16xf32>
          %rev3A_208 = arith.constant 15 : i32
          %rev3A_209 = vector.broadcast %rev3A_208 : i32 to vector<16xi32>
          %rev3A_210 = tpu.iota {dimensions = array<i32: 0>} : vector<16xi32>
          %rev3A_211 = arith.subi %rev3A_209, %rev3A_210 : vector<16xi32>
          %rev3A_212 = tpu.dynamic_gather %get3A_207[%rev3A_211] in [0] : vector<16xf32>, vector<16xi32> -> vector<16xf32>
          %swap3A_213 = arith.index_cast %scan3A_135 : i32 to index
          %swap3A_214 = arith.constant 80 : index
          %swap3A_215 = tpu.vector_load %arg9[%swap3A_213, %swap3A_214] {strides = array<i32>} : memref<121x121xf32, #tpu.memory_space<vmem>>, vector<1x16xf32>,
          %swap3A_216 = vector.shape_cast %swap3A_215 : vector<1x16xf32> to vector<16xf32>
          %swap3A_217 = vector.shape_cast %rev3A_212 : vector<16xf32> to vector<1x16xf32>
          tpu.vector_store %arg9[%swap3A_213, %swap3A_214], %swap3A_217 {strides = array<i32>} : memref<121x121xf32, #tpu.memory_space<vmem>>, vector<1x16xf32>,
          %get3A_218 = arith.index_cast %scan3A_135 : i32 to index
          %get3A_219 = arith.constant 9 : index
          %get3A_220 = tpu.vector_load %arg8[%get3A_218, %get3A_219] {strides = array<i32>} : memref<121x121xf32, #tpu.memory_space<vmem>>, vector<1x16xf32>,
          %get3A_221 = vector.shape_cast %get3A_220 : vector<1x16xf32> to vector<16xf32>
          %rev3A_222 = arith.constant 15 : i32
          %rev3A_223 = vector.broadcast %rev3A_222 : i32 to vector<16xi32>
          %rev3A_224 = tpu.iota {dimensions = array<i32: 0>} : vector<16xi32>
          %rev3A_225 = arith.subi %rev3A_223, %rev3A_224 : vector<16xi32>
          %rev3A_226 = tpu.dynamic_gather %get3A_221[%rev3A_225] in [0] : vector<16xf32>, vector<16xi32> -> vector<16xf32>
          %swap3A_227 = arith.index_cast %scan3A_135 : i32 to index
          %swap3A_228 = arith.constant 96 : index
          %swap3A_229 = tpu.vector_load %arg9[%swap3A_227, %swap3A_228] {strides = array<i32>} : memref<121x121xf32, #tpu.memory_space<vmem>>, vector<1x16xf32>,
          %swap3A_230 = vector.shape_cast %swap3A_229 : vector<1x16xf32> to vector<16xf32>
          %swap3A_231 = vector.shape_cast %rev3A_226 : vector<16xf32> to vector<1x16xf32>
          tpu.vector_store %arg9[%swap3A_227, %swap3A_228], %swap3A_231 {strides = array<i32>} : memref<121x121xf32, #tpu.memory_space<vmem>>, vector<1x16xf32>,
          %get3A_232 = arith.index_cast %scan3A_135 : i32 to index
          %get3A_233 = arith.constant 0 : index
          %get3A_234 = tpu.vector_load %arg8[%get3A_232, %get3A_233] {strides = array<i32>} : memref<121x121xf32, #tpu.memory_space<vmem>>, vector<1x16xf32>,
          %get3A_235 = vector.shape_cast %get3A_234 : vector<1x16xf32> to vector<16xf32>
          %rev3A_236 = arith.constant 15 : i32
          %rev3A_237 = vector.broadcast %rev3A_236 : i32 to vector<16xi32>
          %rev3A_238 = tpu.iota {dimensions = array<i32: 0>} : vector<16xi32>
          %rev3A_239 = arith.subi %rev3A_237, %rev3A_238 : vector<16xi32>
          %rev3A_240 = tpu.dynamic_gather %get3A_235[%rev3A_239] in [0] : vector<16xf32>, vector<16xi32> -> vector<16xf32>
          %swap3A_241 = arith.index_cast %scan3A_135 : i32 to index
          %swap3A_242 = arith.constant 105 : index
          %swap3A_243 = tpu.vector_load %arg9[%swap3A_241, %swap3A_242] {strides = array<i32>} : memref<121x121xf32, #tpu.memory_space<vmem>>, vector<1x16xf32>,
          %swap3A_244 = vector.shape_cast %swap3A_243 : vector<1x16xf32> to vector<16xf32>
          %swap3A_245 = vector.shape_cast %rev3A_240 : vector<16xf32> to vector<1x16xf32>
          tpu.vector_store %arg9[%swap3A_241, %swap3A_242], %swap3A_245 {strides = array<i32>} : memref<121x121xf32, #tpu.memory_space<vmem>>, vector<1x16xf32>,
        }
        %scan3A_134 = arith.constant 121 : i32
      } else {
      }
      %dma_start3A_121 = arith.constant 0 : i32
      %dma_start3A_122 = arith.constant 0 : i32
      %dma_start3A_123 = tpu.memref_slice %arg6[%add3A_23, %dma_start3A_121, %dma_start3A_122] : memref<544x121x121xf32, #tpu.memory_space<hbm>> -> memref<1x121x121xf32, #tpu.memory_space<hbm>>
      %dma_start3A_124 = tpu.memref_squeeze %dma_start3A_123 : memref<1x121x121xf32, #tpu.memory_space<hbm>> -> memref<121x121xf32, #tpu.memory_space<hbm>>
      %dma_start3A_125 = arith.constant 0 : i32
      %dma_start3A_126 = arith.constant 0 : i32
      %dma_start3A_127 = tpu.memref_slice %arg6[%add3A_23, %dma_start3A_125, %dma_start3A_126] : memref<544x121x121xf32, #tpu.memory_space<hbm>> -> memref<1x121x121xf32, #tpu.memory_space<hbm>>
      %dma_start3A_128 = tpu.memref_squeeze %dma_start3A_127 : memref<1x121x121xf32, #tpu.memory_space<hbm>> -> memref<121x121xf32, #tpu.memory_space<hbm>>
      tpu.enqueue_dma source(%arg9 : memref<121x121xf32, #tpu.memory_space<vmem>>) target(%dma_start3A_128 : memref<121x121xf32, #tpu.memory_space<hbm>>) target_semaphore(%arg11 : memref<!tpu.dma_semaphore, #tpu.memory_space<semaphore_mem>>)
    }
    %scan3A_11 = arith.constant 17 : i32
    %dma_wait3A = arith.constant 0 : i32
    %dma_wait3A_12 = arith.constant 0 : i32
    %dma_wait3A_13 = arith.constant 0 : i32
    %dma_wait3A_14 = tpu.memref_slice %arg6[%dma_wait3A, %dma_wait3A_12, %dma_wait3A_13] : memref<544x121x121xf32, #tpu.memory_space<hbm>> -> memref<1x121x121xf32, #tpu.memory_space<hbm>>
    %dma_wait3A_15 = tpu.memref_squeeze %dma_wait3A_14 : memref<1x121x121xf32, #tpu.memory_space<hbm>> -> memref<121x121xf32, #tpu.memory_space<hbm>>
    %dma_wait3A_16 = arith.constant 0 : i32
    %dma_wait3A_17 = arith.constant 0 : i32
    %dma_wait3A_18 = tpu.memref_slice %arg6[%dma_wait3A, %dma_wait3A_16, %dma_wait3A_17] : memref<544x121x121xf32, #tpu.memory_space<hbm>> -> memref<1x121x121xf32, #tpu.memory_space<hbm>>
    %dma_wait3A_19 = tpu.memref_squeeze %dma_wait3A_18 : memref<1x121x121xf32, #tpu.memory_space<hbm>> -> memref<121x121xf32, #tpu.memory_space<hbm>>
    tpu.wait_dma2 semaphore(%arg11 : memref<!tpu.dma_semaphore, #tpu.memory_space<semaphore_mem>>) src(%arg9 : memref<121x121xf32, #tpu.memory_space<vmem>>) dst(%dma_wait3A_19 : memref<121x121xf32, #tpu.memory_space<hbm>>)
    return
  }
}

</mosaic_0001>

<sc_bundles>
// kernel: kernel.3.cloned.1.call-start
scs
__scs_entry_jumppad:
0x0: {  	(pc) =	sbr.rel $0x88, $3  }
0x1: {  	(tag) =	ssettag $0x0;
	lr =	simm.s32 $0x1  }
0x2: {  	[smem:$0x3F9E] =	sst lr;
	_ =	strace $0xD0000000  }
0x3: {  	_ = 	snop  }
0x4: {  	_ = 	snop  }
0x5: {  	_ = 	snop  }
0x6: {  	_ = 	snop  }
0x7: {  	_ = 	snop  }
__scs_overlays_trampoline_lowered:
0x8: {  	[smem:$0x3FAD] =	sst s0  }
0x9: {  	[smem:$0x3FAE] =	sst s1  }
0xa: {  	[smem:$0x3FAF] =	sst s2  }
0xb: {  	[smem:$0x3FB0] =	sst s3  }
0xc: {  	[smem:$0x3FB1] =	sst s4  }
0xd: {  	[smem:$0x3FB2] =	sst s5  }
0xe: {  	[smem:$0x3FB3] =	sst s6  }
0xf: {  	[smem:$0x3FB4] =	sst s7  }
0x10: {  	[smem:$0x3FB5] =	sst s8  }
0x11: {  	[smem:$0x3FB6] =	sst s9;
	s0 =	simm.s32 @!p0 $0x0  }
0x12: {  	s1 =	sld [smem:$0x3F9C];
	s0 =	simm.s32 @p0 $0x1  }
0x13: {  	[smem:$0x3FB7] =	sst s0;
	s0 =	simm.s32 @!p1 $0x0  }
0x14: {  	s2 =	sld [smem:$0x3F9B];
	s0 =	simm.s32 @p1 $0x1  }
0x15: {  	[smem:$0x3FB8] =	sst s0;
	s0 =	simm.s32 @!p2 $0x0  }
0x16: {  	s3 =	sld [smem:$0x3FDB];
	s0 =	simm.s32 @p2 $0x1  }
0x17: {  	s4 =	simm.s32 $0x1BF5;
	[smem:$0x3FBA] =	sst s0  }
0x18: {  	s0 =	sld [smem:$0x3F9D];
	_ =	swait.ge [sflag:s4], $0x0  }
0x19: {  	s7 =	sld [smem:$0x3F9E]  }
0x1a: {  	s8 =	sadd.s32 $0xFFFFE003, lr  }
0x1b: {  	s9 =	sadd.s32 $0xFFFFFEF7, lr;
	s5 =	simm.s32 $0xFFFFFFFF;
	p2 =	slt.u32 s8, $0xFFFFF086  }
0x1c: {  	p1 =	slt.u32 s9, $0xF7A;
	s5 =	simm.s32 @!p2 $0x0  }
0x1d: {  	s5 =	simm.s32 @p1 $0x1;
	p0 =	seq.s32 s7, s2  }
0x1e: {  	s7 =	smul.u32 @!p0 $0xF7A, s2;
	p2 =	seq.s32 @!p0 s5, $0x0  }
0x1f: {  	s9 =	smul.u32 $0xF7A, s1;
	s8 =	simm.s32 @!p0 $0x1BF5;
	p2 =	por !p2, p0  }
0x20: {  	[sflag:s8] =	ssyncset.s32 @!p0 $0xFFFFF086;
	s6 =	sadd.s32 @!p0 s3, s7;
	s7 =	simm.s32 @!p0 $0x108  }
0x21: {  	s3 =	sadd.s32 s3, s9;
	s6 =	sadd.s32 @!p0 $0x88, s6;
	s7 =	simm.s32 @p2 $0x1082  }
0x22: {  	[simem:s7], [sflag:s8] =	dma.local @!p0 [hbm:s6], $0xF7A  }
0x23: {  	s9 =	sor.u32 $0xD0000000, s2;
	s6 =	simm.s32 $0x108;
	_ =	swait.ge @!p0 [sflag:s8], $0x0  }
0x24: {  	s3 =	sadd.s32 $0x88, s3;
	s6 =	simm.s32 @!p1 $0x1082;
	[sflag:s4] =	ssyncset.s32 $0xFFFFF086  }
0x25: {  	[simem:s6], [sflag:s4] =	dma.local [hbm:s3], $0xF7A  }
0x26: {  	[smem:$0x3F9E] =	sst s1;
	(tag) =	ssettag s2;
	_ =	strace s9  }
0x27: {  	s1 =	sld [smem:$0x3FAE]  }
0x28: {  	s2 =	sld [smem:$0x3FAF]  }
0x29: {  	s4 =	sld [smem:$0x3FB1]  }
0x2a: {  	p0 =	seq.s32 s5, $0x0;
	s5 =	sld [smem:$0x3FB2]  }
0x2b: {  	s6 =	sld [smem:$0x3FB3]  }
0x2c: {  	s7 =	sld [smem:$0x3FB4]  }
0x2d: {  	s3 =	simm.s32 $0x108;
	s8 =	sld [smem:$0x3FB5]  }
0x2e: {  	s3 =	simm.s32 @!p0 $0x1082;
	s9 =	sld [smem:$0x3FB6]  }
0x2f: {  	lr =	sadd.s32 s0, s3;
	s0 =	sld [smem:$0x3FAD]  }
0x30: {  	s3 =	sld [smem:$0x3FB0]  }
0x31: {  	[smem:$0x3FB9] =	sst s10  }
0x32: {  	s10 =	sld [smem:$0x3FB7];
	_ =	sdelay $0x3  }
0x33: {  	p0 =	seq.s32 s10, $0x1;
	s10 =	sld [smem:$0x3FB9];
	_ =	sdelay $0x3  }
0x34: {  	[smem:$0x3FB9] =	sst s10  }
0x35: {  	s10 =	sld [smem:$0x3FB8];
	_ =	sdelay $0x3  }
0x36: {  	p1 =	seq.s32 s10, $0x1;
	s10 =	sld [smem:$0x3FB9];
	_ =	sdelay $0x3  }
0x37: {  	[smem:$0x3FB9] =	sst s10  }
0x38: {  	s10 =	sld [smem:$0x3FBA]  }
0x39: {  	_ = 	snop;
	(pc) =	sbr.ind lr, $3  }
0x3a: {  	_ = 	snop  }
0x3b: {  	_ = 	snop  }
0x3c: {  	p2 =	seq.s32 s10, $0x1;
	s10 =	sld [smem:$0x3FB9]  }
0x3d: {  	_ =	shalt  }
0x3e: {  	_ =	shalt  }
0x3f: {  	_ =	shalt  }
0x40: {  	_ =	shalt  }
0x41: {  	_ =	shalt  }
0x42: {  	_ =	shalt  }
0x43: {  	_ =	shalt  }
0x44: {  	_ =	shalt  }
0x45: {  	_ =	shalt  }
0x46: {  	_ =	shalt  }
0x47: {  	_ =	shalt  }
0x48: {  	_ =	shalt  }
0x49: {  	_ =	shalt  }
0x4a: {  	_ =	shalt  }
0x4b: {  	_ =	shalt  }
0x4c: {  	_ =	shalt  }
0x4d: {  	_ =	shalt  }
0x4e: {  	_ =	shalt  }
0x4f: {  	_ =	shalt  }
0x50: {  	_ =	shalt  }
0x51: {  	_ =	shalt  }
0x52: {  	_ =	shalt  }
0x53: {  	_ =	shalt  }
0x54: {  	_ =	shalt  }
0x55: {  	_ =	shalt  }
0x56: {  	_ =	shalt  }
0x57: {  	_ =	shalt  }
0x58: {  	_ =	shalt  }
0x59: {  	_ =	shalt  }
0x5a: {  	_ =	shalt  }
0x5b: {  	_ =	shalt  }
0x5c: {  	_ =	shalt  }
0x5d: {  	_ =	shalt  }
0x5e: {  	_ =	shalt  }
0x5f: {  	_ =	shalt  }
0x60: {  	_ =	shalt  }
0x61: {  	_ =	shalt  }
0x62: {  	_ =	shalt  }
0x63: {  	_ =	shalt  }
0x64: {  	_ =	shalt  }
0x65: {  	_ =	shalt  }
0x66: {  	_ =	shalt  }
0x67: {  	_ =	shalt  }
0x68: {  	_ =	shalt  }
0x69: {  	_ =	shalt  }
0x6a: {  	_ =	shalt  }
0x6b: {  	_ =	shalt  }
0x6c: {  	_ =	shalt  }
0x6d: {  	_ =	shalt  }
0x6e: {  	_ =	shalt  }
0x6f: {  	_ =	shalt  }
0x70: {  	_ =	shalt  }
0x71: {  	_ =	shalt  }
0x72: {  	_ =	shalt  }
0x73: {  	_ =	shalt  }
0x74: {  	_ =	shalt  }
0x75: {  	_ =	shalt  }
0x76: {  	_ =	shalt  }
0x77: {  	_ =	shalt  }
0x78: {  	_ =	shalt  }
0x79: {  	_ =	shalt  }
0x7a: {  	_ =	shalt  }
0x7b: {  	_ =	shalt  }
0x7c: {  	_ =	shalt  }
0x7d: {  	_ =	shalt  }
0x7e: {  	_ =	shalt  }
0x7f: {  	_ =	shalt  }
0x80: {  	_ =	shalt  }
0x81: {  	_ =	shalt  }
0x82: {  	_ =	shalt  }
0x83: {  	_ =	shalt  }
0x84: {  	_ =	shalt  }
0x85: {  	_ =	shalt  }
0x86: {  	_ =	shalt  }
0x87: {  	_ =	shalt  }
.Lfunc_end0:
.L_simem_size_0:
called_computation_lowered:
.L_overlay_start_0:
0x88: {  	s2 =	sld [smem:$0x3FD9]  }
0x89: {  	s3 =	sld [smem:$0x3FFE];
	_ =	sdelay $0x1  }
0x8a: {  	s1 =	srdreg.scid  }
0x8b: {  	s0 =	sand.u32 $0x1, s1  }
0x8c: {  	s14 =	sshll.u32 s0, $0xA;
	s2 =	sadd.s32 s3, s2  }
0x8d: {  	s2 =	sadd.s32 s2, s14  }
0x8e: {  	[smem:$0x3FC5] =	sst s2  }
0x8f: {  	_ = 	snop  }
0x90: {  	s2 =	sld [smem:$0x3FD0];
	_ =	sdelay $0x2  }
0x91: {  	s15 =	simm.s32 $0xA;
	s4 =	simm.s32 $0x10  }
0x92: {  	[smem:s4], [sflag:s15] =	dma.local [hbm:s2], $0x1  }
0x93: {  	_ =	swait.eq [sflag:s15], $0x1  }
0x94: {  	[sflag:s15] =	ssyncset.done $0x0  }
0x95: {  	s16 =	sld [smem:$0x10];
	[sflag:s15] =	ssyncadd.s32 $0xFFFFFFFF  }
0x96: {  	s17 =	sld [smem:$0x11];
	(tm) =	ssettm $0x1  }
0x97: {  	s18 =	sld [smem:$0x3FFB];
	_ =	sdelay $0x3  }
0x98: {  	_ =	strace s18  }
0x99: {  	s4 =	sld [smem:$0x3FFC];
	_ =	sdelay $0x3  }
0x9a: {  	_ =	strace s4  }
0x9b: {  	s4 =	sld [smem:$0x3FFD];
	_ =	sdelay $0x3  }
0x9c: {  	_ =	strace s4  }
0x9d: {  	_ =	strace $0x8FFFFFFF  }
0x9e: {  	s19 =	sld [smem:$0x3FDB];
	_ =	sdelay $0x1  }
0x9f: {  	s5 =	simm.s32 $_scs_section_size  }
0xa0: {  	s6 =	simm.s32 $_size__tile_overlayer_lowered;
	s7 =	simm.s32 $_tile_overlayer_lowered  }
0xa1: {  	s22 =	simm.s32 $0x1BFF;
	s21 =	sshll.u32 s7, $0x1;
	s4 =	sadd.s32 s5, s19  }
0xa2: {  	s8 =	simm.s32 $0x0;
	s20 =	sshll.u32 s6, $0x1;
	s6 =	sadd.s32 s21, s4  }
0xa3: {  	[timem:s8], [sflag:s22] =	dma.local [hbm:s6], s20  }
0xa4: {  	_ =	swait.ge [sflag:s22], s20  }
0xa5: {  	s5 =	ssub.s32 $0x0, s20;
	[sflag:s22] =	ssyncset.done $0x0  }
0xa6: {  	[sflag:s22] =	ssyncadd.s32 s5;
	_ =	sdelay $0x1  }
0xa7: {  	s23 =	simm.s32 $0x1B8B  }
0xa8: {  	_ =	swait.ge [sflag:s23], $0x1  }
0xa9: {  	[sflag:s23] =	ssyncset.done $0x0  }
0xaa: {  	s25 =	simm.s32 $0x1B8E;
	s24 =	sld [smem:$0x3FFE];
	[sflag:s23] =	ssyncadd.s32 $0xFFFFFFFF  }
0xab: {  	s26 =	simm.s32 $execute0_lowered;
	[smem:$0x3FD2] =	sst s25  }
0xac: {  	s6 =	sshll.u32 s26, $0x1;
	_ =	strace $0x80000046;
	[dreg:$0x1] =	wrdreg $0xFFFFFFFF  }
0xad: {  	s28 =	simm.s32 $_size_execute0_lowered;
	s4 =	sadd.s32 s4, s6;
	[dreg:$0x0] =	wrdreg $0x0  }
0xae: {  	s6 =	sshll.u32 s28, $0x1;
	[dreg:$0x2] =	wrdreg s4  }
0xaf: {  	[dreg:$0x3] =	wrdreg s6  }
0xb0: {  	[dreg:$0x4] =	wrdreg $0xC0  }
0xb1: {  	_ =	task [dreg:s8], $0x5FFFF  }
0xb2: {  	[dreg:$0x1] =	wrdreg $0xFFFFFFFF  }
0xb3: {  	[dreg:$0x0] =	wrdreg $0x60  }
0xb4: {  	[dreg:$0x2] =	wrdreg s17  }
0xb5: {  	[dreg:$0x3] =	wrdreg s24  }
0xb6: {  	[dreg:$0x4] =	wrdreg s16  }
0xb7: {  	[dreg:$0x5] =	wrdreg $0x9  }
0xb8: {  	_ =	task.clear_ibuf [dreg:s8], $0x6FFFF;
	_ =	strace $0x90000046  }
0xb9: {  	s29 =	simm.s32 $0x9;
	_ =	strace $0x80000048  }
0xba: {  	_ =	swait.ge [sflag:s29], $0x1  }
0xbb: {  	[sflag:s29] =	ssyncadd.s32 $0xFFFFFFFF  }
0xbc: {  	_ =	strace $0x90000048  }
0xbd: {  	_ =	sfence  }
0xbe: {  	s30 =	sld [smem:$0x0];
	_ =	sdelay $0x2  }
0xbf: {  	s31 =	sshll.u32 s1, $0xD;
	s1 =	sshrl.u32 s1, $0x2  }
0xc0: {  	s3 =	sand.u32 $0x4000, s31;
	s1 =	sadd.s32 s1, s30  }
0xc1: {  	s0 =	sor.u32 s3, s0;
	s1 =	sshll.u32 s1, $0x11  }
0xc2: {  	s0 =	sor.u32 s1, s0  }
0xc3: {  	s0 =	sadd.s32 $0x8F2B, s0  }
0xc4: {  	[sflag:s0] =	ssyncadd.remote.s32 $0x1  }
0xc5: {  	_ =	sfence.sel $0xFFFF  }
0xc6: {  	[dreg:$0x0] =	wrdreg $0xFFFFFFFF;
	(pc) =	sbr.abs _section_cstart, $3  }
0xc7: {  	[dreg:$0x1] =	wrdreg $0xFFFFFFFF  }
0xc8: {  	_ =	task.clear_ibuf [dreg:s8], $0x2FFFF;
	_ =	strace $0x9FFFFFFF  }
0xc9: {  	(tm) =	ssettm $0x7FFFFFFF  }
tec
execute0_lowered:
.L_overlay_start_1:
0x0: {  	(tag) =	ssettag $0x1  }
0x1: {  	s1 =	rddreg [dreg:$0x0]  }
0x2: {  	s7 =	rddreg [dreg:$0x1]  }
0x3: {  	s2 =	rddreg [dreg:$0x2]  }
0x4: {  	s0 =	rddreg [dreg:$0x3];
	s3 =	simm.s32 $0x0  }
0x5: {  	s4 =	srdreg.scid;
	s12 =	simm.s32 $0x80;
	s13 =	simm.s32 $0x1  }
0x6: {  	s14 =	simm.s32 $0x4080;
	s16 =	simm.s32 $0x0;
	[smem:$0x7FF] =	sst s3  }
0x7: {  	s5 =	sadd.s32 $0xC00, s7;
	s15 =	sand.u32 $0x1, s4;
	s6 =	sadd.s32 $0x110C00, s7  }
.Ltmp0:
0x8: {  	s4 =	stileid.u32;
	s7 =	sadd.s32 $0x198C00, s7;
	(pc) =	sbr.rel .LBB2_1-.Ltmp0, $4  }
0x9: {  	v0 =	vlaneseq.u32;
	_ =	strace $0x80000047;
	s8 =	ssub.s32 $0x2, s15;
	s10 =	sshll.u32 s4, $0x1  }
0xa: {  	v0 =	vmul.u32 $0xFFFFFFFF, v0;
	p0 =	seq.s32 s15, $0x1;
	p1 =	sne.s32 s15, $0x0;
	s9 =	sshrl.u32 s8, $0x1  }
0xb: {  	s11 =	ssub.s32 s8, s9;
	s8 =	sor.u32 s15, s10;
	s9 =	sshll.u32 s15, $0xE  }
0xc: {  	v0 =	vadd.s32 $0xF, v0;
	s15 =	simm.s32 $0x2;
	s10 =	smax.u32 s11, $0x1;
	s11 =	simm.s32 $0x3  }
.LBB2_14:
0xd: {  	s16 =	sadd.s32 $0x1, s16  }
0xe: {  	p2 =	sne.s32 s16, s10  }
.Ltmp1:
0xf: {  	_ = 	snop;
	(pc) =	sbr.rel @!p2 .LBB2_15-.Ltmp1, $4  }
0x10: {  	_ = 	snop  }
0x11: {  	_ =	swait.ge [sflag:s15], $0x3C80  }
0x12: {  	[sflag:s15] =	ssyncset.done $0x0  }
0x13: {  	[sflag:s15] =	ssyncadd.s32 $0xFFFFC380  }
.LBB2_1:
0x14: {  	[tilespmem:s3], [sflag:$0x3] =	stream.linear.gather [hbm4b:s2+s3], $0x80, $0x38;
	[tilespmem:$0x8080] =	vst v63  }
0x15: {  	_ =	swait.ge [sflag:s11], $0x80  }
0x16: {  	[sflag:s11] =	ssyncset.done $0x0  }
0x17: {  	s18 =	simm.s32 $0x0;
	[sflag:s11] =	ssyncadd.s32 $0xFFFFFF80  }
.LBB2_2:
0x18: {  	s17 =	sshll.u32 s18, $0x5  }
0x19: {  	s17 =	sor.u32 s8, s17  }
0x1a: {  	p2 =	slt.s32 s17, $0x10F  }
0x1b: {  	s17 =	simm.s32 @!p2 $0x10F  }
0x1c: {  	s19 =	smulhi.u32 $0xF0F0F0F1, s17;
	_ =	sdelay $0x1  }
0x1d: {  	s19 =	sshrl.u32 s19, $0x4  }
0x1e: {  	s19 =	smul.u32 $0x11, s19;
	_ =	sdelay $0x1  }
0x1f: {  	s20 =	ssub.s32 s17, s19  }
0x20: {  	v1 =	vld [tilespmem:s20+$0x0];
	_ =	sdelay $0x4  }
0x21: {  	(v2sf) =	vpush v1, $0x0;
	_ =	sdelay $0xe  }
0x22: {  	s31 =	spop (v2sf)  }
0x23: {  	s19 =	sadd.s32 s31, s19  }
0x24: {  	s19 =	sshll.u32 s19, $0xB  }
0x25: {  	s19 =	sand.u32 $0x1FFFF800, s19  }
0x26: {  	p2 =	seq.s32 s18, $0x0;
	s19 =	sadd.s32 s1, s19  }
0x27: {  	[tilespmem:s12], [sflag:$0x1] =	stream.linear.gather [hbm4b:s19+s3], $0x3C80, $0x38;
	[tilespmem:$0x8080] =	vst v63  }
0x28: {  	s19 =	simm.s32 @!p2 $0x2  }
0x29: {  	_ =	swait.ge @!p2 [sflag:s19], $0x3C80  }
0x2a: {  	[sflag:s19] =	ssyncset.done @!p2 $0x0  }
0x2b: {  	[sflag:s19] =	ssyncadd.s32 @!p2 $0xFFFFC380  }
0x2c: {  	_ =	swait.ge [sflag:s13], $0x3C80  }
0x2d: {  	[sflag:s13] =	ssyncset.done $0x0  }
0x2e: {  	s20 =	simm.s32 $0x0;
	[sflag:s13] =	ssyncadd.s32 $0xFFFFC380  }
0x2f: {  	v1 =	vld [tilespmem:s20+$0x89]  }
0x30: {  	v4 =	vld [tilespmem:s20+$0x80]  }
0x31: {  	v6 =	vld [tilespmem:s20+$0xE9]  }
0x32: {  	v7 =	vld [tilespmem:s20+$0xD9]  }
0x33: {  	v5 =	vld [tilespmem:s20+$0xC9]  }
0x34: {  	v2 =	vld [tilespmem:s20+$0xB9];
	v8 =	vperm.xlane v1, v0  }
0x35: {  	v1 =	vld [tilespmem:s20+$0xA9];
	v9 =	vperm.xlane v4, v0  }
0x36: {  	s19 =	simm.s32 $0x80;
	v3 =	vld [tilespmem:s20+$0x99];
	v6 =	vperm.xlane v6, v0;
	[tilespmem:s20+$0x40E0] =	vst v8  }
0x37: {  	s21 =	simm.s32 $0x400;
	v7 =	vperm.xlane v7, v0;
	v4 =	vld [tilespmem:s19+$0x89];
	[tilespmem:s20+$0x40E9] =	vst v9  }
.LBB2_3:
0x38: {  	p2 =	sne.s32 s21, $0xF000;
	v8 =	vld [tilespmem:s19+$0x80];
	[tilespmem:s20+$0x4080] =	vst v6;
	v5 =	vperm.xlane v5, v0  }
0x39: {  	v6 =	vld [tilespmem:s19+$0xE9];
	[tilespmem:s20+$0x4090] =	vst v7;
	v2 =	vperm.xlane v2, v0  }
0x3a: {  	v7 =	vld [tilespmem:s19+$0xD9];
	[tilespmem:s20+$0x40A0] =	vst v5;
	v1 =	vperm.xlane v1, v0  }
.Ltmp2:
0x3b: {  	v5 =	vld [tilespmem:s19+$0xC9];
	[tilespmem:s20+$0x40B0] =	vst v2;
	v3 =	vperm.xlane v3, v0;
	(pc) =	sbr.rel @p2 .LBB2_3-.Ltmp2, $4  }
0x3c: {  	v2 =	vld [tilespmem:s19+$0xB9];
	v4 =	vperm.xlane v4, v0;
	[tilespmem:s20+$0x40C0] =	vst v1  }
0x3d: {  	v1 =	vld [tilespmem:s19+$0xA9];
	v8 =	vperm.xlane v8, v0;
	[tilespmem:s20+$0x40D0] =	vst v3;
	s20 =	smov.u32 s19  }
0x3e: {  	s19 =	sshra.s32 s21, $0x2;
	v6 =	vperm.xlane v6, v0;
	v3 =	vld [tilespmem:s20+$0x99];
	[tilespmem:s20+$0x40E0] =	vst v4  }
0x3f: {  	s21 =	sadd.s32 $0x200, s21;
	v4 =	vld [tilespmem:s19+$0x89];
	v7 =	vperm.xlane v7, v0;
	[tilespmem:s20+$0x40E9] =	vst v8  }
0x40: {  	v8 =	vld [tilespmem:s19+$0x80];
	[tilespmem:s20+$0x4080] =	vst v6;
	v5 =	vperm.xlane v5, v0  }
0x41: {  	v6 =	vld [tilespmem:s19+$0xE9];
	[tilespmem:s20+$0x4090] =	vst v7;
	v2 =	vperm.xlane v2, v0  }
0x42: {  	v7 =	vld [tilespmem:s19+$0xD9];
	[tilespmem:s20+$0x40A0] =	vst v5;
	v1 =	vperm.xlane v1, v0  }
0x43: {  	v5 =	vld [tilespmem:s19+$0xC9];
	[tilespmem:s20+$0x40B0] =	vst v2;
	v3 =	vperm.xlane v3, v0  }
0x44: {  	v2 =	vld [tilespmem:s19+$0xB9];
	[tilespmem:s20+$0x40C0] =	vst v1;
	v4 =	vperm.xlane v4, v0  }
0x45: {  	v1 =	vld [tilespmem:s19+$0xA9];
	[tilespmem:s20+$0x40D0] =	vst v3;
	v3 =	vperm.xlane v8, v0  }
0x46: {  	v62 =	vld [tilespmem:s19+$0x99];
	v6 =	vperm.xlane v6, v0;
	[tilespmem:s19+$0x40E0] =	vst v4  }
0x47: {  	v63 =	vperm.xlane v7, v0;
	[tilespmem:s19+$0x40E9] =	vst v3  }
0x48: {  	s18 =	sadd.s32 $0x1, s18;
	[tilespmem:s19+$0x4080] =	vst v6;
	v3 =	vperm.xlane v5, v0  }
0x49: {  	p2 =	sne.s32 s18, $0x9;
	[tilespmem:s19+$0x4090] =	vst v63;
	v2 =	vperm.xlane v2, v0  }
.Ltmp3:
0x4a: {  	[tilespmem:s19+$0x40A0] =	vst v3;
	v1 =	vperm.xlane v1, v0;
	(pc) =	sbr.rel @p2 .LBB2_2-.Ltmp3, $4  }
0x4b: {  	s17 =	sshll.u32 s17, $0xB;
	[tilespmem:s19+$0x40B0] =	vst v2;
	v2 =	vperm.xlane v62, v0  }
0x4c: {  	s17 =	sand.u32 $0x1FFFF800, s17;
	[tilespmem:s19+$0x40C0] =	vst v1  }
0x4d: {  	s31 =	sadd.s32 s6, s17;
	s17 =	simm.s32 $0x0;
	[tilespmem:s19+$0x40D0] =	vst v2  }
0x4e: {  	[hbm4b:s31+s17] =	stream.linear.scatter [tilespmem:s14], [sflag:$0x2], $0x3C80, $0x38;
	[tilespmem:$0x8080] =	vst v63  }
.Ltmp4:
0x4f: {  	(pc) =	sbr.rel .LBB2_6-.Ltmp4, $2  }
0x50: {  	_ =	sdelay $0x2  }
0x51: {  	s18 =	simm.s32 $0x0  }
.LBB2_13:
0x52: {  	s18 =	sadd.s32 $0x1, s18  }
0x53: {  	p2 =	sne.s32 s18, $0x11  }
.Ltmp5:
0x54: {  	_ = 	snop;
	(pc) =	sbr.rel @!p2 .LBB2_14-.Ltmp5, $4  }
0x55: {  	_ = 	snop  }
0x56: {  	s19 =	sshll.u32 s19, $0xB  }
0x57: {  	s19 =	sadd.s32 s7, s19  }
0x58: {  	[hbm4b:s19+s3] =	stream.linear.scatter [tilespmem:s14], [sflag:$0x2], $0x3C80, $0x38;
	[tilespmem:$0x8080] =	vst v63  }
.LBB2_6:
0x59: {  	s19 =	sshll.u32 s18, $0x5  }
0x5a: {  	s19 =	sor.u32 s8, s19  }
0x5b: {  	p2 =	seq.s32 s19, $0x0  }
0x5c: {  	p2 =	por !p2, !p0  }
0x5d: {  	s20 =	simm.s32 $0x1;
	p2 =	por !p2, !p2  }
0x5e: {  	s21 =	sshrl.u32 s19, $0x1;
	s20 =	simm.s32 @!p2 $0x0  }
0x5f: {  	s20 =	ssub.s32 s21, s20  }
0x60: {  	s21 =	smulhi.u32 $0x78787879, s20;
	s22 =	sshra.s32 s20, $0x1F  }
0x61: {  	s22 =	smul.u32 $0x78787879, s22;
	_ =	sdelay $0x1  }
0x62: {  	s21 =	sadd.s32 s22, s21  }
0x63: {  	s22 =	sshrl.u32 s21, $0x1F;
	s21 =	sshra.s32 s21, $0x3  }
0x64: {  	s21 =	sadd.s32 s22, s21  }
0x65: {  	s22 =	smul.u32 $0xFFFFFFEF, s21  }
0x66: {  	s23 =	ssub.s32 $0x0, s20  }
0x67: {  	p6 =	slt.s32 s20, $0x1;
	p3 =	sne.s32 s22, s23  }
0x68: {  	p2 =	por !p6, !p3  }
0x69: {  	s22 =	simm.s32 $0x1;
	p2 =	por !p2, !p2  }
0x6a: {  	s22 =	simm.s32 @!p2 $0x0  }
0x6b: {  	s21 =	ssub.s32 s21, s22  }
0x6c: {  	s21 =	smul.u32 $0x11, s21;
	_ =	sdelay $0x1  }
0x6d: {  	s20 =	ssub.s32 s20, s21  }
0x6e: {  	v1 =	vld [tilespmem:s20+$0x0];
	_ =	sdelay $0x4  }
0x6f: {  	(v2sf) =	vpush v1, $0x0;
	_ =	sdelay $0xe  }
0x70: {  	s31 =	spop (v2sf)  }
0x71: {  	s20 =	sadd.s32 s21, s31  }
0x72: {  	s20 =	sshll.u32 s20, $0xF  }
0x73: {  	s20 =	sor.u32 s9, s20  }
0x74: {  	s20 =	sshrl.u32 s20, $0x3  }
0x75: {  	s20 =	sadd.s32 s5, s20  }
0x76: {  	[tilespmem:s12], [sflag:$0x1] =	stream.linear.gather [hbm4b:s20+s17], $0x3C80, $0x38;
	[tilespmem:$0x8080] =	vst v63  }
0x77: {  	_ =	swait.ge [sflag:s15], $0x3C80  }
.Ltmp6:
0x78: {  	[sflag:s15] =	ssyncset.done $0x0;
	(pc) =	sbr.rel @p1 .LBB2_10-.Ltmp6, $4  }
0x79: {  	[sflag:s15] =	ssyncadd.s32 $0xFFFFC380  }
0x7a: {  	_ =	swait.ge [sflag:s13], $0x3C80  }
0x7b: {  	[sflag:s13] =	ssyncset.done $0x0  }
0x7c: {  	s21 =	simm.s32 $0x0;
	[sflag:s13] =	ssyncadd.s32 $0xFFFFC380  }
0x7d: {  	v1 =	vld [tilespmem:s21+$0x89]  }
0x7e: {  	v3 =	vld [tilespmem:s21+$0x80]  }
0x7f: {  	v4 =	vld [tilespmem:s21+$0xE9]  }
0x80: {  	v7 =	vld [tilespmem:s21+$0xD9]  }
0x81: {  	v5 =	vld [tilespmem:s21+$0xC9]  }
0x82: {  	v2 =	vld [tilespmem:s21+$0xB9];
	v8 =	vperm.xlane v1, v0  }
0x83: {  	v1 =	vld [tilespmem:s21+$0xA9];
	v9 =	vperm.xlane v3, v0  }
0x84: {  	s20 =	simm.s32 $0x80;
	v6 =	vperm.xlane v4, v0;
	v3 =	vld [tilespmem:s21+$0x99];
	v8 =	vsub.f32 $0.0e+00, v8  }
0x85: {  	s22 =	simm.s32 $0x400;
	v4 =	vld [tilespmem:s20+$0x89];
	v7 =	vperm.xlane v7, v0;
	v9 =	vsub.f32 $0.0e+00, v9  }
.LBB2_8:
0x86: {  	p2 =	seq.s32 s22, $0xF000;
	v10 =	vld [tilespmem:s20+$0x80];
	v6 =	vsub.f32 $0.0e+00, v6;
	v5 =	vperm.xlane v5, v0;
	[tilespmem:s21+$0x40E0] =	vst v8  }
0x87: {  	v8 =	vld [tilespmem:s20+$0xE9];
	v7 =	vsub.f32 $0.0e+00, v7;
	v2 =	vperm.xlane v2, v0;
	[tilespmem:s21+$0x40E9] =	vst v9  }
0x88: {  	v9 =	vld [tilespmem:s20+$0xD9];
	[tilespmem:s21+$0x4080] =	vst v6;
	v6 =	vsub.f32 $0.0e+00, v5;
	v1 =	vperm.xlane v1, v0  }
.Ltmp7:
0x89: {  	v5 =	vld [tilespmem:s20+$0xC9];
	[tilespmem:s21+$0x4090] =	vst v7;
	v7 =	vsub.f32 $0.0e+00, v2;
	v3 =	vperm.xlane v3, v0;
	(pc) =	sbr.rel @!p2 .LBB2_8-.Ltmp7, $4  }
0x8a: {  	v2 =	vld [tilespmem:s20+$0xB9];
	v4 =	vperm.xlane v4, v0;
	[tilespmem:s21+$0x40A0] =	vst v6;
	v11 =	vsub.f32 $0.0e+00, v1  }
0x8b: {  	v1 =	vld [tilespmem:s20+$0xA9];
	v10 =	vperm.xlane v10, v0;
	[tilespmem:s21+$0x40B0] =	vst v7;
	v12 =	vsub.f32 $0.0e+00, v3  }
0x8c: {  	s23 =	sshra.s32 s22, $0x2;
	v6 =	vperm.xlane v8, v0;
	v3 =	vld [tilespmem:s20+$0x99];
	v8 =	vsub.f32 $0.0e+00, v4;
	[tilespmem:s21+$0x40C0] =	vst v11  }
0x8d: {  	s22 =	sadd.s32 $0x200, s22;
	v4 =	vld [tilespmem:s23+$0x89];
	v7 =	vperm.xlane v9, v0;
	v9 =	vsub.f32 $0.0e+00, v10;
	[tilespmem:s21+$0x40D0] =	vst v12;
	s21 =	smov.u32 s20;
	s20 =	smov.u32 s23  }
0x8e: {  	v10 =	vld [tilespmem:s20+$0x80];
	[tilespmem:s21+$0x40E0] =	vst v8;
	v6 =	vsub.f32 $0.0e+00, v6;
	v5 =	vperm.xlane v5, v0  }
0x8f: {  	v8 =	vld [tilespmem:s20+$0xE9];
	[tilespmem:s21+$0x40E9] =	vst v9;
	v7 =	vsub.f32 $0.0e+00, v7;
	v2 =	vperm.xlane v2, v0  }
0x90: {  	v9 =	vld [tilespmem:s20+$0xD9];
	[tilespmem:s21+$0x4080] =	vst v6;
	v5 =	vsub.f32 $0.0e+00, v5;
	v1 =	vperm.xlane v1, v0  }
0x91: {  	v6 =	vld [tilespmem:s20+$0xC9];
	[tilespmem:s21+$0x4090] =	vst v7;
	v2 =	vsub.f32 $0.0e+00, v2;
	v3 =	vperm.xlane v3, v0  }
0x92: {  	v7 =	vld [tilespmem:s20+$0xB9];
	[tilespmem:s21+$0x40A0] =	vst v5;
	v4 =	vperm.xlane v4, v0;
	v1 =	vsub.f32 $0.0e+00, v1  }
0x93: {  	v5 =	vld [tilespmem:s20+$0xA9];
	[tilespmem:s21+$0x40B0] =	vst v2;
	v2 =	vperm.xlane v10, v0;
	v3 =	vsub.f32 $0.0e+00, v3  }
0x94: {  	v61 =	vld [tilespmem:s20+$0x99];
	v8 =	vperm.xlane v8, v0;
	v4 =	vsub.f32 $0.0e+00, v4;
	[tilespmem:s21+$0x40C0] =	vst v1  }
0x95: {  	v1 =	vperm.xlane v9, v0;
	v2 =	vsub.f32 $0.0e+00, v2;
	[tilespmem:s21+$0x40D0] =	vst v3  }
0x96: {  	v3 =	vsub.f32 $0.0e+00, v8;
	v6 =	vperm.xlane v6, v0;
	[tilespmem:s20+$0x40E0] =	vst v4  }
0x97: {  	v1 =	vsub.f32 $0.0e+00, v1;
	v62 =	vperm.xlane v7, v0;
	[tilespmem:s20+$0x40E9] =	vst v2  }
0x98: {  	[tilespmem:s20+$0x4080] =	vst v3;
	v2 =	vsub.f32 $0.0e+00, v6;
	v3 =	vperm.xlane v5, v0  }
.Ltmp8:
0x99: {  	[tilespmem:s20+$0x4090] =	vst v1;
	v1 =	vsub.f32 $0.0e+00, v62;
	v63 =	vperm.xlane v61, v0;
	(pc) =	sbr.rel .LBB2_13-.Ltmp8, $4  }
0x9a: {  	[tilespmem:s20+$0x40A0] =	vst v2;
	v2 =	vsub.f32 $0.0e+00, v3  }
0x9b: {  	[tilespmem:s20+$0x40B0] =	vst v1;
	v1 =	vsub.f32 $0.0e+00, v63  }
0x9c: {  	[tilespmem:s20+$0x40C0] =	vst v2  }
0x9d: {  	[tilespmem:s20+$0x40D0] =	vst v1  }
.LBB2_10:
0x9e: {  	v1 =	vld [tilespmem:s21+$0x89]  }
0x9f: {  	v4 =	vld [tilespmem:s21+$0x80]  }
0xa0: {  	v6 =	vld [tilespmem:s21+$0xE9]  }
0xa1: {  	v7 =	vld [tilespmem:s21+$0xD9]  }
0xa2: {  	v5 =	vld [tilespmem:s21+$0xC9]  }
0xa3: {  	v2 =	vld [tilespmem:s21+$0xB9];
	v8 =	vperm.xlane v1, v0  }
0xa4: {  	v1 =	vld [tilespmem:s21+$0xA9];
	v9 =	vperm.xlane v4, v0  }
0xa5: {  	v3 =	vld [tilespmem:s21+$0x99];
	s20 =	simm.s32 $0x80;
	v6 =	vperm.xlane v6, v0;
	[tilespmem:s21+$0x40E0] =	vst v8  }
0xa6: {  	s22 =	simm.s32 $0x400;
	v7 =	vperm.xlane v7, v0;
	v4 =	vld [tilespmem:s20+$0x89];
	[tilespmem:s21+$0x40E9] =	vst v9  }
.LBB2_11:
0xa7: {  	p2 =	sne.s32 s22, $0xF000;
	v8 =	vld [tilespmem:s20+$0x80];
	[tilespmem:s21+$0x4080] =	vst v6;
	v5 =	vperm.xlane v5, v0  }
0xa8: {  	v6 =	vld [tilespmem:s20+$0xE9];
	[tilespmem:s21+$0x4090] =	vst v7;
	v2 =	vperm.xlane v2, v0  }
0xa9: {  	v7 =	vld [tilespmem:s20+$0xD9];
	[tilespmem:s21+$0x40A0] =	vst v5;
	v1 =	vperm.xlane v1, v0  }
.Ltmp9:
0xaa: {  	v5 =	vld [tilespmem:s20+$0xC9];
	[tilespmem:s21+$0x40B0] =	vst v2;
	v3 =	vperm.xlane v3, v0;
	(pc) =	sbr.rel @p2 .LBB2_11-.Ltmp9, $4  }
0xab: {  	v2 =	vld [tilespmem:s20+$0xB9];
	v4 =	vperm.xlane v4, v0;
	[tilespmem:s21+$0x40C0] =	vst v1  }
0xac: {  	v1 =	vld [tilespmem:s20+$0xA9];
	v8 =	vperm.xlane v8, v0;
	[tilespmem:s21+$0x40D0] =	vst v3;
	s21 =	smov.u32 s20  }
0xad: {  	s20 =	sshra.s32 s22, $0x2;
	v6 =	vperm.xlane v6, v0;
	v3 =	vld [tilespmem:s21+$0x99];
	[tilespmem:s21+$0x40E0] =	vst v4  }
0xae: {  	s22 =	sadd.s32 $0x200, s22;
	v4 =	vld [tilespmem:s20+$0x89];
	v7 =	vperm.xlane v7, v0;
	[tilespmem:s21+$0x40E9] =	vst v8  }
0xaf: {  	v8 =	vld [tilespmem:s20+$0x80];
	[tilespmem:s21+$0x4080] =	vst v6;
	v5 =	vperm.xlane v5, v0  }
0xb0: {  	v6 =	vld [tilespmem:s20+$0xE9];
	[tilespmem:s21+$0x4090] =	vst v7;
	v2 =	vperm.xlane v2, v0  }
0xb1: {  	v7 =	vld [tilespmem:s20+$0xD9];
	[tilespmem:s21+$0x40A0] =	vst v5;
	v1 =	vperm.xlane v1, v0  }
0xb2: {  	v5 =	vld [tilespmem:s20+$0xC9];
	[tilespmem:s21+$0x40B0] =	vst v2;
	v3 =	vperm.xlane v3, v0  }
0xb3: {  	v2 =	vld [tilespmem:s20+$0xB9];
	[tilespmem:s21+$0x40C0] =	vst v1;
	v4 =	vperm.xlane v4, v0  }
0xb4: {  	v1 =	vld [tilespmem:s20+$0xA9];
	[tilespmem:s21+$0x40D0] =	vst v3;
	v3 =	vperm.xlane v8, v0  }
0xb5: {  	v62 =	vld [tilespmem:s20+$0x99];
	v6 =	vperm.xlane v6, v0;
	[tilespmem:s20+$0x40E0] =	vst v4  }
0xb6: {  	v63 =	vperm.xlane v7, v0;
	[tilespmem:s20+$0x40E9] =	vst v3  }
0xb7: {  	[tilespmem:s20+$0x4080] =	vst v6;
	v3 =	vperm.xlane v5, v0  }
.Ltmp10:
0xb8: {  	[tilespmem:s20+$0x4090] =	vst v63;
	v2 =	vperm.xlane v2, v0;
	(pc) =	sbr.rel .LBB2_13-.Ltmp10, $4  }
0xb9: {  	[tilespmem:s20+$0x40A0] =	vst v3;
	v1 =	vperm.xlane v1, v0  }
0xba: {  	[tilespmem:s20+$0x40B0] =	vst v2;
	v2 =	vperm.xlane v62, v0  }
0xbb: {  	[tilespmem:s20+$0x40C0] =	vst v1  }
0xbc: {  	[tilespmem:s20+$0x40D0] =	vst v2  }
.LBB2_15:
0xbd: {  	_ =	sfence.sel $0x180000  }
0xbe: {  	[bflag:$0x0] =	sbarrier.arrive $0xFFFF  }
0xbf: {  	p0 =	sne.s32 s4, $0x0;
	_ =	strace $0x90000047  }
0xc0: {  	s0 =	sadd.s32 @!p0 $0x100000, s0;
	[bflag:$0x2] =	sbarrier.arrive $0xFFFF  }
0xc1: {  	[sflag:s0] =	ssyncadd.tile.s32 @!p0 $0x1;
	_ =	shalt  }
.Lfunc_end2:
_tile_overlayer_lowered:
.L_overlay_start_2:
0xc2: {  	(tag) =	ssettag $0x2  }
0xc3: {  	s0 =	rddreg [dreg:$0x0];
	s2 =	stileid.u32  }
0xc4: {  	s1 =	rddreg [dreg:$0x1];
	p0 =	sne.s32 s2, $0x0  }
0xc5: {  	s3 =	rddreg [dreg:$0x2];
	[bflag:$0x3] =	sbarrier.arrive $0xFFFF;
	s2 =	simm.s32 @!p0 $0x1C03  }
0xc6: {  	[timem:s3], [sflag:s2] =	dma.local @!p0 [hbm:s0], s1  }
0xc7: {  	s0 =	simm.s32 @!p0 $0x3  }
0xc8: {  	_ =	swait.ge @!p0 [sflag:s0], s1  }
0xc9: {  	s1 =	ssub.s32 @!p0 $0x0, s1;
	[sflag:s0] =	ssyncset.done @!p0 $0x0  }
0xca: {  	[sflag:s0] =	ssyncadd.s32 @!p0 s1  }
0xcb: {  	[bflag:$0x3] =	sbarrier.arrive $0xFFFF  }
0xcc: {  	_ =	shalt  }

</sc_bundles>
